<compile_context>
chip_gen: v7x
topology: tpu7x:2x2x1
jax: 0.10.2.dev20260603
libtpu: 0.0.44.dev20260713+nightly
codegen_flags: <defaults>
</compile_context>

<pallas_src>
import jax
import jax.numpy as jnp
from jax import lax
from jax.experimental import pallas as pl
from jax.experimental.pallas import tpu as pltpu
from jax.experimental.pallas import tpu_sc as plsc

L = 16
NC = 1
NS = 16
NW = NC * NS
ROWS = 50
COLS = 200
NCHUNK = (COLS + L - 1) // L
COLS_PAD = NCHUNK * L
ROWS_PER_W = 4
TABLE = 1000


def _sc_body(hist_hbm, cur_hbm, table_hbm, out_hbm, tail_hbm,
             hist_v, cur_v,
             row_0, row_1, row_2, row_3, e_0, e_1, e_2, e_3,
             hsem, csem, s0, s1, s2, s3, osem):
    cid = lax.axis_index("c")
    sid = lax.axis_index("s")
    wid = sid * NC + cid

    rows = (row_0, row_1, row_2, row_3)
    es = (e_0, e_1, e_2, e_3)
    sems = (s0, s1, s2, s3)

    hcopy = pltpu.async_copy(hist_hbm, hist_v.at[pl.ds(0, COLS)], hsem)
    pltpu.async_copy(cur_hbm, cur_v.at[pl.ds(0, ROWS)], csem).wait()

    i0 = jnp.minimum(wid * ROWS_PER_W, ROWS - ROWS_PER_W)
    curvec = cur_v[pl.ds(i0, L)]
    copies = [
        pltpu.async_copy(table_hbm.at[curvec[r]], rows[r], sems[r])
        for r in range(ROWS_PER_W)
    ]
    hcopy.wait()

    lane = lax.broadcasted_iota(jnp.int32, (L,), 0)
    OVERLAP = NCHUNK * L - COLS
    NFULL = NCHUNK - 1

    vtails = []
    for r in range(ROWS_PER_W):
        copies[r].wait()
        es[r][pl.ds(NFULL * L, L)] = jnp.full((L,), -jnp.inf, jnp.float32)
        vt = plsc.load_gather(rows[r], [hist_v[pl.ds(COLS - L, L)]])
        vtails.append(jnp.where(lane >= OVERLAP, vt, -jnp.inf))
        es[r][pl.ds(COLS - L, L)] = vtails[r]

    def p1(c, ms):
        idxc = hist_v[pl.ds(c * L, L)]
        out = []
        for r in range(ROWS_PER_W):
            v = plsc.load_gather(rows[r], [idxc])
            es[r][pl.ds(c * L, L)] = v
            out.append(jnp.maximum(ms[r], v))
        return tuple(out)
    ms = lax.fori_loop(0, NFULL, p1, tuple(vtails))
    mmaxs = [jnp.max(m) for m in ms]

    def p2(c, ss):
        out = []
        for r in range(ROWS_PER_W):
            t = jnp.exp(es[r][pl.ds(c * L, L)] - mmaxs[r])
            es[r][pl.ds(c * L, L)] = t
            out.append(ss[r] + t)
        return tuple(out)
    ss = lax.fori_loop(0, NCHUNK, p2,
                       (jnp.zeros((L,), jnp.float32),) * ROWS_PER_W)
    one = jnp.full((L,), 1.0, jnp.float32)
    invs = [one / jnp.broadcast_to(jnp.sum(s), (L,)) for s in ss]

    def p3(c, carry):
        for r in range(ROWS_PER_W):
            es[r][pl.ds(c * L, L)] = es[r][pl.ds(c * L, L)] * invs[r]
        return carry
    lax.fori_loop(0, NCHUNK, p3, jnp.int32(0))

    out_copies = []
    for r in range(ROWS_PER_W):
        i_out = i0 + r
        out_copies.append(
            pltpu.async_copy(es[r].at[pl.ds(0, 128)],
                             out_hbm.at[i_out, pl.ds(0, 128)], osem))
        out_copies.append(
            pltpu.async_copy(es[r].at[pl.ds(128, 128)],
                             tail_hbm.at[i_out, pl.ds(0, 128)], osem))

    for cp in out_copies:
        cp.wait()


@jax.jit
def _run(history, current, cid_time):
    mesh = plsc.VectorSubcoreMesh(
        core_axis_name="c", subcore_axis_name="s",
        num_cores=NC, num_subcores=NS)
    fn = pl.kernel(
        _sc_body,
        out_type=(jax.ShapeDtypeStruct((ROWS, COLS), jnp.float32),
                  jax.ShapeDtypeStruct((ROWS, 128), jnp.float32)),
        mesh=mesh,
        compiler_params=pltpu.CompilerParams(
            needs_layout_passes=False,
        ),
        scratch_types=(
            [pltpu.VMEM((COLS_PAD,), jnp.int32),
             pltpu.VMEM((ROWS - ROWS_PER_W + L,), jnp.int32)]
            + [pltpu.VMEM((TABLE,), jnp.float32)] * ROWS_PER_W
            + [pltpu.VMEM((256,), jnp.float32)] * ROWS_PER_W
            + [pltpu.SemaphoreType.DMA] * (ROWS_PER_W + 3)
        ),
    )
    out, tails = fn(history, current, cid_time)
    return lax.dynamic_update_slice(
        out, tails[:, :COLS - 128], (0, 128))


def kernel(history, current, cid_time):
    return _run(history.astype(jnp.int32), current.astype(jnp.int32),
                cid_time)

# --- scband reference (transcript-rebuilt; emitter-appended) ---
"""Pipeline reference for scband-attn-cid-time-90795608637908 (READ-ONLY COPY).

The authoritative reference and input builder live on the scoring server;
editing this copy changes nothing except your own understanding.
"""

import jax, jax.numpy as jnp
import numpy as np


def setup_inputs(seed: int = 0) -> dict:
    key = jax.random.key(seed)
    k1, k2, k3 = jax.random.split(key, 3)
    history = jax.random.randint(k1, (200,), 0, 1000, dtype=jnp.int64)
    current = jax.random.randint(k2, (50,), 0, 1000, dtype=jnp.int64)
    cid_time = jax.random.normal(k3, (1000, 1000), dtype=jnp.float32)
    return {"history": history, "current": current, "cid_time": cid_time}


def reference(history, current, cid_time):
    # attn_energies[i, j] = cid_time[current[i], history[j]]
    # vectorized 2D gather replaces the python double loop
    energies = cid_time[current[:, None], history[None, :]]
    # F.softmax with implicit dim on a 2D tensor -> softmax over dim 1
    return jax.nn.softmax(energies, axis=1)

if __name__ == "__main__":
    import jax
    _d = setup_inputs()
    print(jax.jit(kernel)(*tuple(_d.values())))

</pallas_src>

<mosaic_0001>
#map = affine_map<(d0, d1) -> (0)>
#map1 = affine_map<(d0, d1) -> (0, 0)>
module attributes {stable_mosaic.version = 14 : i64} {
  func.func @_sc_body(%arg0: i32, %arg1: i32, %arg2: memref<200xi32, #tpu.memory_space<hbm>>, %arg3: memref<50xi32, #tpu.memory_space<hbm>>, %arg4: memref<1000x1000xf32, #tpu.memory_space<hbm>>, %arg5: memref<50x200xf32, #tpu.memory_space<hbm>>, %arg6: memref<50x128xf32, #tpu.memory_space<hbm>>, %arg7: memref<208xi32, #tpu.memory_space<vmem>>, %arg8: memref<62xi32, #tpu.memory_space<vmem>>, %arg9: memref<1000xf32, #tpu.memory_space<vmem>>, %arg10: memref<1000xf32, #tpu.memory_space<vmem>>, %arg11: memref<1000xf32, #tpu.memory_space<vmem>>, %arg12: memref<1000xf32, #tpu.memory_space<vmem>>, %arg13: memref<256xf32, #tpu.memory_space<vmem>>, %arg14: memref<256xf32, #tpu.memory_space<vmem>>, %arg15: memref<256xf32, #tpu.memory_space<vmem>>, %arg16: memref<256xf32, #tpu.memory_space<vmem>>, %arg17: memref<!tpu.dma_semaphore, #tpu.memory_space<semaphore_mem>>, %arg18: memref<!tpu.dma_semaphore, #tpu.memory_space<semaphore_mem>>, %arg19: memref<!tpu.dma_semaphore, #tpu.memory_space<semaphore_mem>>, %arg20: memref<!tpu.dma_semaphore, #tpu.memory_space<semaphore_mem>>, %arg21: memref<!tpu.dma_semaphore, #tpu.memory_space<semaphore_mem>>, %arg22: memref<!tpu.dma_semaphore, #tpu.memory_space<semaphore_mem>>, %arg23: memref<!tpu.dma_semaphore, #tpu.memory_space<semaphore_mem>>) attributes {dimension_semantics = [#tpu.dimension_semantics<core_parallel>, #tpu.dimension_semantics<subcore_parallel>], iteration_bounds = array<i64: 1, 16>, scalar_prefetch = 0 : i64, scratch_operands = 17 : i64, tpu.core_type = #tpu.core_type<sc_vector_subcore>, window_params = [{transform_indices = #map}, {transform_indices = #map}, {transform_indices = #map1}, {transform_indices = #map1}, {transform_indices = #map1}]} {
    %mul3A = arith.constant 1 : i32
    %mul3A_0 = arith.muli %arg1, %mul3A : i32
    %add3A = arith.addi %mul3A_0, %arg0 : i32
    %dma_start3A = arith.constant 0 : i32
    %dma_start3A_1 = tpu.memref_slice %arg7[%dma_start3A] : memref<208xi32, #tpu.memory_space<vmem>> -> memref<200xi32, #tpu.memory_space<vmem>>
    %dma_start3A_2 = arith.constant 0 : i32
    %dma_start3A_3 = tpu.memref_slice %arg7[%dma_start3A_2] : memref<208xi32, #tpu.memory_space<vmem>> -> memref<200xi32, #tpu.memory_space<vmem>>
    tpu.enqueue_dma source(%arg2 : memref<200xi32, #tpu.memory_space<hbm>>) target(%dma_start3A_3 : memref<200xi32, #tpu.memory_space<vmem>>) target_semaphore(%arg17 : memref<!tpu.dma_semaphore, #tpu.memory_space<semaphore_mem>>)
    %dma_start3A_4 = arith.constant 0 : i32
    %dma_start3A_5 = tpu.memref_slice %arg8[%dma_start3A_4] : memref<62xi32, #tpu.memory_space<vmem>> -> memref<50xi32, #tpu.memory_space<vmem>>
    %dma_start3A_6 = arith.constant 0 : i32
    %dma_start3A_7 = tpu.memref_slice %arg8[%dma_start3A_6] : memref<62xi32, #tpu.memory_space<vmem>> -> memref<50xi32, #tpu.memory_space<vmem>>
    tpu.enqueue_dma source(%arg3 : memref<50xi32, #tpu.memory_space<hbm>>) target(%dma_start3A_7 : memref<50xi32, #tpu.memory_space<vmem>>) target_semaphore(%arg18 : memref<!tpu.dma_semaphore, #tpu.memory_space<semaphore_mem>>)
    %dma_wait3A = arith.constant 0 : i32
    %dma_wait3A_8 = tpu.memref_slice %arg8[%dma_wait3A] : memref<62xi32, #tpu.memory_space<vmem>> -> memref<50xi32, #tpu.memory_space<vmem>>
    %dma_wait3A_9 = arith.constant 0 : i32
    %dma_wait3A_10 = tpu.memref_slice %arg8[%dma_wait3A_9] : memref<62xi32, #tpu.memory_space<vmem>> -> memref<50xi32, #tpu.memory_space<vmem>>
    tpu.wait_dma2 semaphore(%arg18 : memref<!tpu.dma_semaphore, #tpu.memory_space<semaphore_mem>>) src(%arg3 : memref<50xi32, #tpu.memory_space<hbm>>) dst(%dma_wait3A_10 : memref<50xi32, #tpu.memory_space<vmem>>)
    %mul3A_11 = arith.constant 4 : i32
    %mul3A_12 = arith.muli %add3A, %mul3A_11 : i32
    %min3A = arith.constant 46 : i32
    %min3A_13 = arith.minsi %mul3A_12, %min3A : i32
    %get3A = arith.index_cast %min3A_13 : i32 to index
    %get3A_14 = tpu.vector_load %arg8[%get3A] {strides = array<i32>} : memref<62xi32, #tpu.memory_space<vmem>>, vector<16xi32>,
    %slice3A = vector.extract_strided_slice %get3A_14 {offsets = [0], sizes = [1], strides = [1]} : vector<16xi32> to vector<1xi32>
    %squeeze3A = vector.extract %slice3A[0] : i32 from vector<1xi32>
    %dma_start3A_15 = arith.constant 0 : i32
    %dma_start3A_16 = tpu.memref_slice %arg4[%squeeze3A, %dma_start3A_15] : memref<1000x1000xf32, #tpu.memory_space<hbm>> -> memref<1x1000xf32, #tpu.memory_space<hbm>>
    %dma_start3A_17 = tpu.memref_squeeze %dma_start3A_16 : memref<1x1000xf32, #tpu.memory_space<hbm>> -> memref<1000xf32, #tpu.memory_space<hbm>>
    %dma_start3A_18 = arith.constant 0 : i32
    %dma_start3A_19 = tpu.memref_slice %arg4[%squeeze3A, %dma_start3A_18] : memref<1000x1000xf32, #tpu.memory_space<hbm>> -> memref<1x1000xf32, #tpu.memory_space<hbm>>
    %dma_start3A_20 = tpu.memref_squeeze %dma_start3A_19 : memref<1x1000xf32, #tpu.memory_space<hbm>> -> memref<1000xf32, #tpu.memory_space<hbm>>
    tpu.enqueue_dma source(%dma_start3A_20 : memref<1000xf32, #tpu.memory_space<hbm>>) target(%arg9 : memref<1000xf32, #tpu.memory_space<vmem>>) target_semaphore(%arg19 : memref<!tpu.dma_semaphore, #tpu.memory_space<semaphore_mem>>)
    %slice3A_21 = vector.extract_strided_slice %get3A_14 {offsets = [1], sizes = [1], strides = [1]} : vector<16xi32> to vector<1xi32>
    %squeeze3A_22 = vector.extract %slice3A_21[0] : i32 from vector<1xi32>
    %dma_start3A_23 = arith.constant 0 : i32
    %dma_start3A_24 = tpu.memref_slice %arg4[%squeeze3A_22, %dma_start3A_23] : memref<1000x1000xf32, #tpu.memory_space<hbm>> -> memref<1x1000xf32, #tpu.memory_space<hbm>>
    %dma_start3A_25 = tpu.memref_squeeze %dma_start3A_24 : memref<1x1000xf32, #tpu.memory_space<hbm>> -> memref<1000xf32, #tpu.memory_space<hbm>>
    %dma_start3A_26 = arith.constant 0 : i32
    %dma_start3A_27 = tpu.memref_slice %arg4[%squeeze3A_22, %dma_start3A_26] : memref<1000x1000xf32, #tpu.memory_space<hbm>> -> memref<1x1000xf32, #tpu.memory_space<hbm>>
    %dma_start3A_28 = tpu.memref_squeeze %dma_start3A_27 : memref<1x1000xf32, #tpu.memory_space<hbm>> -> memref<1000xf32, #tpu.memory_space<hbm>>
    tpu.enqueue_dma source(%dma_start3A_28 : memref<1000xf32, #tpu.memory_space<hbm>>) target(%arg10 : memref<1000xf32, #tpu.memory_space<vmem>>) target_semaphore(%arg20 : memref<!tpu.dma_semaphore, #tpu.memory_space<semaphore_mem>>)
    %slice3A_29 = vector.extract_strided_slice %get3A_14 {offsets = [2], sizes = [1], strides = [1]} : vector<16xi32> to vector<1xi32>
    %squeeze3A_30 = vector.extract %slice3A_29[0] : i32 from vector<1xi32>
    %dma_start3A_31 = arith.constant 0 : i32
    %dma_start3A_32 = tpu.memref_slice %arg4[%squeeze3A_30, %dma_start3A_31] : memref<1000x1000xf32, #tpu.memory_space<hbm>> -> memref<1x1000xf32, #tpu.memory_space<hbm>>
    %dma_start3A_33 = tpu.memref_squeeze %dma_start3A_32 : memref<1x1000xf32, #tpu.memory_space<hbm>> -> memref<1000xf32, #tpu.memory_space<hbm>>
    %dma_start3A_34 = arith.constant 0 : i32
    %dma_start3A_35 = tpu.memref_slice %arg4[%squeeze3A_30, %dma_start3A_34] : memref<1000x1000xf32, #tpu.memory_space<hbm>> -> memref<1x1000xf32, #tpu.memory_space<hbm>>
    %dma_start3A_36 = tpu.memref_squeeze %dma_start3A_35 : memref<1x1000xf32, #tpu.memory_space<hbm>> -> memref<1000xf32, #tpu.memory_space<hbm>>
    tpu.enqueue_dma source(%dma_start3A_36 : memref<1000xf32, #tpu.memory_space<hbm>>) target(%arg11 : memref<1000xf32, #tpu.memory_space<vmem>>) target_semaphore(%arg21 : memref<!tpu.dma_semaphore, #tpu.memory_space<semaphore_mem>>)
    %slice3A_37 = vector.extract_strided_slice %get3A_14 {offsets = [3], sizes = [1], strides = [1]} : vector<16xi32> to vector<1xi32>
    %squeeze3A_38 = vector.extract %slice3A_37[0] : i32 from vector<1xi32>
    %dma_start3A_39 = arith.constant 0 : i32
    %dma_start3A_40 = tpu.memref_slice %arg4[%squeeze3A_38, %dma_start3A_39] : memref<1000x1000xf32, #tpu.memory_space<hbm>> -> memref<1x1000xf32, #tpu.memory_space<hbm>>
    %dma_start3A_41 = tpu.memref_squeeze %dma_start3A_40 : memref<1x1000xf32, #tpu.memory_space<hbm>> -> memref<1000xf32, #tpu.memory_space<hbm>>
    %dma_start3A_42 = arith.constant 0 : i32
    %dma_start3A_43 = tpu.memref_slice %arg4[%squeeze3A_38, %dma_start3A_42] : memref<1000x1000xf32, #tpu.memory_space<hbm>> -> memref<1x1000xf32, #tpu.memory_space<hbm>>
    %dma_start3A_44 = tpu.memref_squeeze %dma_start3A_43 : memref<1x1000xf32, #tpu.memory_space<hbm>> -> memref<1000xf32, #tpu.memory_space<hbm>>
    tpu.enqueue_dma source(%dma_start3A_44 : memref<1000xf32, #tpu.memory_space<hbm>>) target(%arg12 : memref<1000xf32, #tpu.memory_space<vmem>>) target_semaphore(%arg22 : memref<!tpu.dma_semaphore, #tpu.memory_space<semaphore_mem>>)
    %dma_wait3A_45 = arith.constant 0 : i32
    %dma_wait3A_46 = tpu.memref_slice %arg7[%dma_wait3A_45] : memref<208xi32, #tpu.memory_space<vmem>> -> memref<200xi32, #tpu.memory_space<vmem>>
    %dma_wait3A_47 = arith.constant 0 : i32
    %dma_wait3A_48 = tpu.memref_slice %arg7[%dma_wait3A_47] : memref<208xi32, #tpu.memory_space<vmem>> -> memref<200xi32, #tpu.memory_space<vmem>>
    tpu.wait_dma2 semaphore(%arg17 : memref<!tpu.dma_semaphore, #tpu.memory_space<semaphore_mem>>) src(%arg2 : memref<200xi32, #tpu.memory_space<hbm>>) dst(%dma_wait3A_48 : memref<200xi32, #tpu.memory_space<vmem>>)
    %iota3A = tpu.iota {dimensions = array<i32: 0>} : vector<16xi32>
    %dma_wait3A_49 = arith.constant 0 : i32
    %dma_wait3A_50 = tpu.memref_slice %arg4[%squeeze3A, %dma_wait3A_49] : memref<1000x1000xf32, #tpu.memory_space<hbm>> -> memref<1x1000xf32, #tpu.memory_space<hbm>>
    %dma_wait3A_51 = tpu.memref_squeeze %dma_wait3A_50 : memref<1x1000xf32, #tpu.memory_space<hbm>> -> memref<1000xf32, #tpu.memory_space<hbm>>
    %dma_wait3A_52 = arith.constant 0 : i32
    %dma_wait3A_53 = tpu.memref_slice %arg4[%squeeze3A, %dma_wait3A_52] : memref<1000x1000xf32, #tpu.memory_space<hbm>> -> memref<1x1000xf32, #tpu.memory_space<hbm>>
    %dma_wait3A_54 = tpu.memref_squeeze %dma_wait3A_53 : memref<1x1000xf32, #tpu.memory_space<hbm>> -> memref<1000xf32, #tpu.memory_space<hbm>>
    tpu.wait_dma2 semaphore(%arg19 : memref<!tpu.dma_semaphore, #tpu.memory_space<semaphore_mem>>) src(%dma_wait3A_54 : memref<1000xf32, #tpu.memory_space<hbm>>) dst(%arg9 : memref<1000xf32, #tpu.memory_space<vmem>>)
    %broadcast_in_dim3A = arith.constant 0xFF800000 : f32
    %broadcast_in_dim3A_55 = vector.broadcast %broadcast_in_dim3A : f32 to vector<16xf32>
    %swap3A = arith.constant 192 : index
    %swap3A_56 = tpu.vector_load %arg13[%swap3A] {strides = array<i32>} : memref<256xf32, #tpu.memory_space<vmem>>, vector<16xf32>,
    tpu.vector_store %arg13[%swap3A], %broadcast_in_dim3A_55 {strides = array<i32>} : memref<256xf32, #tpu.memory_space<vmem>>, vector<16xf32>,
    %get3A_57 = arith.constant 184 : index
    %get3A_58 = tpu.vector_load %arg7[%get3A_57] {strides = array<i32>} : memref<208xi32, #tpu.memory_space<vmem>>, vector<16xi32>,
    %gather3A = tpu.vector_load_idx %arg9[%get3A_58] : memref<1000xf32, #tpu.memory_space<vmem>>[vector<16xi32>], vector<16xf32>,
    %ge3A = arith.constant 8 : i32
    %ge3A_59 = vector.broadcast %ge3A : i32 to vector<16xi32>
    %ge3A_60 = arith.cmpi sge, %iota3A, %ge3A_59 : vector<16xi32>
    %jit3A = arith.constant 0xFF800000 : f32
    %broadcast_in_dim3A_61 = vector.broadcast %jit3A : f32 to vector<16xf32>
    %select_n3A = arith.select %ge3A_60, %gather3A, %broadcast_in_dim3A_61 : vector<16xi1>, vector<16xf32>
    %swap3A_62 = arith.constant 184 : index
    %swap3A_63 = tpu.vector_load %arg13[%swap3A_62] {strides = array<i32>} : memref<256xf32, #tpu.memory_space<vmem>>, vector<16xf32>,
    tpu.vector_store %arg13[%swap3A_62], %select_n3A {strides = array<i32>} : memref<256xf32, #tpu.memory_space<vmem>>, vector<16xf32>,
    %dma_wait3A_64 = arith.constant 0 : i32
    %dma_wait3A_65 = tpu.memref_slice %arg4[%squeeze3A_22, %dma_wait3A_64] : memref<1000x1000xf32, #tpu.memory_space<hbm>> -> memref<1x1000xf32, #tpu.memory_space<hbm>>
    %dma_wait3A_66 = tpu.memref_squeeze %dma_wait3A_65 : memref<1x1000xf32, #tpu.memory_space<hbm>> -> memref<1000xf32, #tpu.memory_space<hbm>>
    %dma_wait3A_67 = arith.constant 0 : i32
    %dma_wait3A_68 = tpu.memref_slice %arg4[%squeeze3A_22, %dma_wait3A_67] : memref<1000x1000xf32, #tpu.memory_space<hbm>> -> memref<1x1000xf32, #tpu.memory_space<hbm>>
    %dma_wait3A_69 = tpu.memref_squeeze %dma_wait3A_68 : memref<1x1000xf32, #tpu.memory_space<hbm>> -> memref<1000xf32, #tpu.memory_space<hbm>>
    tpu.wait_dma2 semaphore(%arg20 : memref<!tpu.dma_semaphore, #tpu.memory_space<semaphore_mem>>) src(%dma_wait3A_69 : memref<1000xf32, #tpu.memory_space<hbm>>) dst(%arg10 : memref<1000xf32, #tpu.memory_space<vmem>>)
    %broadcast_in_dim3A_70 = arith.constant 0xFF800000 : f32
    %broadcast_in_dim3A_71 = vector.broadcast %broadcast_in_dim3A_70 : f32 to vector<16xf32>
    %swap3A_72 = arith.constant 192 : index
    %swap3A_73 = tpu.vector_load %arg14[%swap3A_72] {strides = array<i32>} : memref<256xf32, #tpu.memory_space<vmem>>, vector<16xf32>,
    tpu.vector_store %arg14[%swap3A_72], %broadcast_in_dim3A_71 {strides = array<i32>} : memref<256xf32, #tpu.memory_space<vmem>>, vector<16xf32>,
    %get3A_74 = arith.constant 184 : index
    %get3A_75 = tpu.vector_load %arg7[%get3A_74] {strides = array<i32>} : memref<208xi32, #tpu.memory_space<vmem>>, vector<16xi32>,
    %gather3A_76 = tpu.vector_load_idx %arg10[%get3A_75] : memref<1000xf32, #tpu.memory_space<vmem>>[vector<16xi32>], vector<16xf32>,
    %ge3A_77 = arith.constant 8 : i32
    %ge3A_78 = vector.broadcast %ge3A_77 : i32 to vector<16xi32>
    %ge3A_79 = arith.cmpi sge, %iota3A, %ge3A_78 : vector<16xi32>
    %jit3A_80 = arith.constant 0xFF800000 : f32
    %broadcast_in_dim3A_81 = vector.broadcast %jit3A_80 : f32 to vector<16xf32>
    %select_n3A_82 = arith.select %ge3A_79, %gather3A_76, %broadcast_in_dim3A_81 : vector<16xi1>, vector<16xf32>
    %swap3A_83 = arith.constant 184 : index
    %swap3A_84 = tpu.vector_load %arg14[%swap3A_83] {strides = array<i32>} : memref<256xf32, #tpu.memory_space<vmem>>, vector<16xf32>,
    tpu.vector_store %arg14[%swap3A_83], %select_n3A_82 {strides = array<i32>} : memref<256xf32, #tpu.memory_space<vmem>>, vector<16xf32>,
    %dma_wait3A_85 = arith.constant 0 : i32
    %dma_wait3A_86 = tpu.memref_slice %arg4[%squeeze3A_30, %dma_wait3A_85] : memref<1000x1000xf32, #tpu.memory_space<hbm>> -> memref<1x1000xf32, #tpu.memory_space<hbm>>
    %dma_wait3A_87 = tpu.memref_squeeze %dma_wait3A_86 : memref<1x1000xf32, #tpu.memory_space<hbm>> -> memref<1000xf32, #tpu.memory_space<hbm>>
    %dma_wait3A_88 = arith.constant 0 : i32
    %dma_wait3A_89 = tpu.memref_slice %arg4[%squeeze3A_30, %dma_wait3A_88] : memref<1000x1000xf32, #tpu.memory_space<hbm>> -> memref<1x1000xf32, #tpu.memory_space<hbm>>
    %dma_wait3A_90 = tpu.memref_squeeze %dma_wait3A_89 : memref<1x1000xf32, #tpu.memory_space<hbm>> -> memref<1000xf32, #tpu.memory_space<hbm>>
    tpu.wait_dma2 semaphore(%arg21 : memref<!tpu.dma_semaphore, #tpu.memory_space<semaphore_mem>>) src(%dma_wait3A_90 : memref<1000xf32, #tpu.memory_space<hbm>>) dst(%arg11 : memref<1000xf32, #tpu.memory_space<vmem>>)
    %broadcast_in_dim3A_91 = arith.constant 0xFF800000 : f32
    %broadcast_in_dim3A_92 = vector.broadcast %broadcast_in_dim3A_91 : f32 to vector<16xf32>
    %swap3A_93 = arith.constant 192 : index
    %swap3A_94 = tpu.vector_load %arg15[%swap3A_93] {strides = array<i32>} : memref<256xf32, #tpu.memory_space<vmem>>, vector<16xf32>,
    tpu.vector_store %arg15[%swap3A_93], %broadcast_in_dim3A_92 {strides = array<i32>} : memref<256xf32, #tpu.memory_space<vmem>>, vector<16xf32>,
    %get3A_95 = arith.constant 184 : index
    %get3A_96 = tpu.vector_load %arg7[%get3A_95] {strides = array<i32>} : memref<208xi32, #tpu.memory_space<vmem>>, vector<16xi32>,
    %gather3A_97 = tpu.vector_load_idx %arg11[%get3A_96] : memref<1000xf32, #tpu.memory_space<vmem>>[vector<16xi32>], vector<16xf32>,
    %ge3A_98 = arith.constant 8 : i32
    %ge3A_99 = vector.broadcast %ge3A_98 : i32 to vector<16xi32>
    %ge3A_100 = arith.cmpi sge, %iota3A, %ge3A_99 : vector<16xi32>
    %jit3A_101 = arith.constant 0xFF800000 : f32
    %broadcast_in_dim3A_102 = vector.broadcast %jit3A_101 : f32 to vector<16xf32>
    %select_n3A_103 = arith.select %ge3A_100, %gather3A_97, %broadcast_in_dim3A_102 : vector<16xi1>, vector<16xf32>
    %swap3A_104 = arith.constant 184 : index
    %swap3A_105 = tpu.vector_load %arg15[%swap3A_104] {strides = array<i32>} : memref<256xf32, #tpu.memory_space<vmem>>, vector<16xf32>,
    tpu.vector_store %arg15[%swap3A_104], %select_n3A_103 {strides = array<i32>} : memref<256xf32, #tpu.memory_space<vmem>>, vector<16xf32>,
    %dma_wait3A_106 = arith.constant 0 : i32
    %dma_wait3A_107 = tpu.memref_slice %arg4[%squeeze3A_38, %dma_wait3A_106] : memref<1000x1000xf32, #tpu.memory_space<hbm>> -> memref<1x1000xf32, #tpu.memory_space<hbm>>
    %dma_wait3A_108 = tpu.memref_squeeze %dma_wait3A_107 : memref<1x1000xf32, #tpu.memory_space<hbm>> -> memref<1000xf32, #tpu.memory_space<hbm>>
    %dma_wait3A_109 = arith.constant 0 : i32
    %dma_wait3A_110 = tpu.memref_slice %arg4[%squeeze3A_38, %dma_wait3A_109] : memref<1000x1000xf32, #tpu.memory_space<hbm>> -> memref<1x1000xf32, #tpu.memory_space<hbm>>
    %dma_wait3A_111 = tpu.memref_squeeze %dma_wait3A_110 : memref<1x1000xf32, #tpu.memory_space<hbm>> -> memref<1000xf32, #tpu.memory_space<hbm>>
    tpu.wait_dma2 semaphore(%arg22 : memref<!tpu.dma_semaphore, #tpu.memory_space<semaphore_mem>>) src(%dma_wait3A_111 : memref<1000xf32, #tpu.memory_space<hbm>>) dst(%arg12 : memref<1000xf32, #tpu.memory_space<vmem>>)
    %broadcast_in_dim3A_112 = arith.constant 0xFF800000 : f32
    %broadcast_in_dim3A_113 = vector.broadcast %broadcast_in_dim3A_112 : f32 to vector<16xf32>
    %swap3A_114 = arith.constant 192 : index
    %swap3A_115 = tpu.vector_load %arg16[%swap3A_114] {strides = array<i32>} : memref<256xf32, #tpu.memory_space<vmem>>, vector<16xf32>,
    tpu.vector_store %arg16[%swap3A_114], %broadcast_in_dim3A_113 {strides = array<i32>} : memref<256xf32, #tpu.memory_space<vmem>>, vector<16xf32>,
    %get3A_116 = arith.constant 184 : index
    %get3A_117 = tpu.vector_load %arg7[%get3A_116] {strides = array<i32>} : memref<208xi32, #tpu.memory_space<vmem>>, vector<16xi32>,
    %gather3A_118 = tpu.vector_load_idx %arg12[%get3A_117] : memref<1000xf32, #tpu.memory_space<vmem>>[vector<16xi32>], vector<16xf32>,
    %ge3A_119 = arith.constant 8 : i32
    %ge3A_120 = vector.broadcast %ge3A_119 : i32 to vector<16xi32>
    %ge3A_121 = arith.cmpi sge, %iota3A, %ge3A_120 : vector<16xi32>
    %jit3A_122 = arith.constant 0xFF800000 : f32
    %broadcast_in_dim3A_123 = vector.broadcast %jit3A_122 : f32 to vector<16xf32>
    %select_n3A_124 = arith.select %ge3A_121, %gather3A_118, %broadcast_in_dim3A_123 : vector<16xi1>, vector<16xf32>
    %swap3A_125 = arith.constant 184 : index
    %swap3A_126 = tpu.vector_load %arg16[%swap3A_125] {strides = array<i32>} : memref<256xf32, #tpu.memory_space<vmem>>, vector<16xf32>,
    tpu.vector_store %arg16[%swap3A_125], %select_n3A_124 {strides = array<i32>} : memref<256xf32, #tpu.memory_space<vmem>>, vector<16xf32>,
    %scan3A = arith.constant 0 : i32
    %scan3A_127 = arith.constant 12 : i32
    %scan3A_128 = arith.addi %scan3A, %scan3A_127 : i32
    %scan3A_129 = arith.constant 1 : i32
    %scan3A_130:4 = scf.for %scan3A_353 = %scan3A to %scan3A_128 step %scan3A_129 iter_args(%scan3A_354 = %select_n3A, %scan3A_355 = %select_n3A_82, %scan3A_356 = %select_n3A_103, %scan3A_357 = %select_n3A_124) -> (vector<16xf32>, vector<16xf32>, vector<16xf32>, vector<16xf32>)  : i32 {
      %mul3A_358 = arith.constant 16 : i32
      %mul3A_359 = arith.muli %scan3A_353, %mul3A_358 : i32
      %get3A_360 = arith.index_cast %mul3A_359 : i32 to index
      %get3A_361 = tpu.vector_load %arg7[%get3A_360] {strides = array<i32>} : memref<208xi32, #tpu.memory_space<vmem>>, vector<16xi32>,
      %gather3A_362 = tpu.vector_load_idx %arg9[%get3A_361] : memref<1000xf32, #tpu.memory_space<vmem>>[vector<16xi32>], vector<16xf32>,
      %mul3A_363 = arith.constant 16 : i32
      %mul3A_364 = arith.muli %scan3A_353, %mul3A_363 : i32
      %swap3A_365 = arith.index_cast %mul3A_364 : i32 to index
      %swap3A_366 = tpu.vector_load %arg13[%swap3A_365] {strides = array<i32>} : memref<256xf32, #tpu.memory_space<vmem>>, vector<16xf32>,
      tpu.vector_store %arg13[%swap3A_365], %gather3A_362 {strides = array<i32>} : memref<256xf32, #tpu.memory_space<vmem>>, vector<16xf32>,
      %max3A = arith.maximumf %scan3A_354, %gather3A_362 : vector<16xf32>
      %gather3A_367 = tpu.vector_load_idx %arg10[%get3A_361] : memref<1000xf32, #tpu.memory_space<vmem>>[vector<16xi32>], vector<16xf32>,
      %mul3A_368 = arith.constant 16 : i32
      %mul3A_369 = arith.muli %scan3A_353, %mul3A_368 : i32
      %swap3A_370 = arith.index_cast %mul3A_369 : i32 to index
      %swap3A_371 = tpu.vector_load %arg14[%swap3A_370] {strides = array<i32>} : memref<256xf32, #tpu.memory_space<vmem>>, vector<16xf32>,
      tpu.vector_store %arg14[%swap3A_370], %gather3A_367 {strides = array<i32>} : memref<256xf32, #tpu.memory_space<vmem>>, vector<16xf32>,
      %max3A_372 = arith.maximumf %scan3A_355, %gather3A_367 : vector<16xf32>
      %gather3A_373 = tpu.vector_load_idx %arg11[%get3A_361] : memref<1000xf32, #tpu.memory_space<vmem>>[vector<16xi32>], vector<16xf32>,
      %mul3A_374 = arith.constant 16 : i32
      %mul3A_375 = arith.muli %scan3A_353, %mul3A_374 : i32
      %swap3A_376 = arith.index_cast %mul3A_375 : i32 to index
      %swap3A_377 = tpu.vector_load %arg15[%swap3A_376] {strides = array<i32>} : memref<256xf32, #tpu.memory_space<vmem>>, vector<16xf32>,
      tpu.vector_store %arg15[%swap3A_376], %gather3A_373 {strides = array<i32>} : memref<256xf32, #tpu.memory_space<vmem>>, vector<16xf32>,
      %max3A_378 = arith.maximumf %scan3A_356, %gather3A_373 : vector<16xf32>
      %gather3A_379 = tpu.vector_load_idx %arg12[%get3A_361] : memref<1000xf32, #tpu.memory_space<vmem>>[vector<16xi32>], vector<16xf32>,
      %mul3A_380 = arith.constant 16 : i32
      %mul3A_381 = arith.muli %scan3A_353, %mul3A_380 : i32
      %swap3A_382 = arith.index_cast %mul3A_381 : i32 to index
      %swap3A_383 = tpu.vector_load %arg16[%swap3A_382] {strides = array<i32>} : memref<256xf32, #tpu.memory_space<vmem>>, vector<16xf32>,
      tpu.vector_store %arg16[%swap3A_382], %gather3A_379 {strides = array<i32>} : memref<256xf32, #tpu.memory_space<vmem>>, vector<16xf32>,
      %max3A_384 = arith.maximumf %scan3A_357, %gather3A_379 : vector<16xf32>
      scf.yield %max3A, %max3A_372, %max3A_378, %max3A_384 : vector<16xf32>, vector<16xf32>, vector<16xf32>, vector<16xf32>
    }
    %scan3A_131 = arith.constant 12 : i32
    %reduce_max3A = arith.constant true
    %reduce_max3A_132 = vector.broadcast %reduce_max3A : i1 to vector<16xi1>
    %reduce_max3A_133 = tpu.scan <max>, %scan3A_130#0 masked %reduce_max3A_132 : vector<16xf32>, vector<16xi1> -> vector<16xf32>
    %reduce_max3A_134 = vector.extract %reduce_max3A_133[15] : f32 from vector<16xf32>
    %reduce_max3A_135 = arith.constant true
    %reduce_max3A_136 = vector.broadcast %reduce_max3A_135 : i1 to vector<16xi1>
    %reduce_max3A_137 = tpu.scan <max>, %scan3A_130#1 masked %reduce_max3A_136 : vector<16xf32>, vector<16xi1> -> vector<16xf32>
    %reduce_max3A_138 = vector.extract %reduce_max3A_137[15] : f32 from vector<16xf32>
    %reduce_max3A_139 = arith.constant true
    %reduce_max3A_140 = vector.broadcast %reduce_max3A_139 : i1 to vector<16xi1>
    %reduce_max3A_141 = tpu.scan <max>, %scan3A_130#2 masked %reduce_max3A_140 : vector<16xf32>, vector<16xi1> -> vector<16xf32>
    %reduce_max3A_142 = vector.extract %reduce_max3A_141[15] : f32 from vector<16xf32>
    %reduce_max3A_143 = arith.constant true
    %reduce_max3A_144 = vector.broadcast %reduce_max3A_143 : i1 to vector<16xi1>
    %reduce_max3A_145 = tpu.scan <max>, %scan3A_130#3 masked %reduce_max3A_144 : vector<16xf32>, vector<16xi1> -> vector<16xf32>
    %reduce_max3A_146 = vector.extract %reduce_max3A_145[15] : f32 from vector<16xf32>
    %broadcast_in_dim3A_147 = arith.constant 0.000000e+00 : f32
    %broadcast_in_dim3A_148 = vector.broadcast %broadcast_in_dim3A_147 : f32 to vector<16xf32>
    %scan3A_149 = arith.constant 0 : i32
    %scan3A_150 = arith.constant 13 : i32
    %scan3A_151 = arith.addi %scan3A_149, %scan3A_150 : i32
    %scan3A_152 = arith.constant 1 : i32
    %scan3A_153:4 = scf.for %scan3A_353 = %scan3A_149 to %scan3A_151 step %scan3A_152 iter_args(%scan3A_354 = %broadcast_in_dim3A_148, %scan3A_355 = %broadcast_in_dim3A_148, %scan3A_356 = %broadcast_in_dim3A_148, %scan3A_357 = %broadcast_in_dim3A_148) -> (vector<16xf32>, vector<16xf32>, vector<16xf32>, vector<16xf32>)  : i32 {
      %mul3A_358 = arith.constant 16 : i32
      %mul3A_359 = arith.muli %scan3A_353, %mul3A_358 : i32
      %get3A_360 = arith.index_cast %mul3A_359 : i32 to index
      %get3A_361 = tpu.vector_load %arg13[%get3A_360] {strides = array<i32>} : memref<256xf32, #tpu.memory_space<vmem>>, vector<16xf32>,
      %sub3A = vector.broadcast %reduce_max3A_134 : f32 to vector<16xf32>
      %sub3A_362 = arith.subf %get3A_361, %sub3A : vector<16xf32>
      %exp3A = math.exp %sub3A_362 : vector<16xf32>
      %mul3A_363 = arith.constant 16 : i32
      %mul3A_364 = arith.muli %scan3A_353, %mul3A_363 : i32
      %swap3A_365 = arith.index_cast %mul3A_364 : i32 to index
      %swap3A_366 = tpu.vector_load %arg13[%swap3A_365] {strides = array<i32>} : memref<256xf32, #tpu.memory_space<vmem>>, vector<16xf32>,
      tpu.vector_store %arg13[%swap3A_365], %exp3A {strides = array<i32>} : memref<256xf32, #tpu.memory_space<vmem>>, vector<16xf32>,
      %add3A_367 = arith.addf %scan3A_354, %exp3A : vector<16xf32>
      %mul3A_368 = arith.constant 16 : i32
      %mul3A_369 = arith.muli %scan3A_353, %mul3A_368 : i32
      %get3A_370 = arith.index_cast %mul3A_369 : i32 to index
      %get3A_371 = tpu.vector_load %arg14[%get3A_370] {strides = array<i32>} : memref<256xf32, #tpu.memory_space<vmem>>, vector<16xf32>,
      %sub3A_372 = vector.broadcast %reduce_max3A_138 : f32 to vector<16xf32>
      %sub3A_373 = arith.subf %get3A_371, %sub3A_372 : vector<16xf32>
      %exp3A_374 = math.exp %sub3A_373 : vector<16xf32>
      %mul3A_375 = arith.constant 16 : i32
      %mul3A_376 = arith.muli %scan3A_353, %mul3A_375 : i32
      %swap3A_377 = arith.index_cast %mul3A_376 : i32 to index
      %swap3A_378 = tpu.vector_load %arg14[%swap3A_377] {strides = array<i32>} : memref<256xf32, #tpu.memory_space<vmem>>, vector<16xf32>,
      tpu.vector_store %arg14[%swap3A_377], %exp3A_374 {strides = array<i32>} : memref<256xf32, #tpu.memory_space<vmem>>, vector<16xf32>,
      %add3A_379 = arith.addf %scan3A_355, %exp3A_374 : vector<16xf32>
      %mul3A_380 = arith.constant 16 : i32
      %mul3A_381 = arith.muli %scan3A_353, %mul3A_380 : i32
      %get3A_382 = arith.index_cast %mul3A_381 : i32 to index
      %get3A_383 = tpu.vector_load %arg15[%get3A_382] {strides = array<i32>} : memref<256xf32, #tpu.memory_space<vmem>>, vector<16xf32>,
      %sub3A_384 = vector.broadcast %reduce_max3A_142 : f32 to vector<16xf32>
      %sub3A_385 = arith.subf %get3A_383, %sub3A_384 : vector<16xf32>
      %exp3A_386 = math.exp %sub3A_385 : vector<16xf32>
      %mul3A_387 = arith.constant 16 : i32
      %mul3A_388 = arith.muli %scan3A_353, %mul3A_387 : i32
      %swap3A_389 = arith.index_cast %mul3A_388 : i32 to index
      %swap3A_390 = tpu.vector_load %arg15[%swap3A_389] {strides = array<i32>} : memref<256xf32, #tpu.memory_space<vmem>>, vector<16xf32>,
      tpu.vector_store %arg15[%swap3A_389], %exp3A_386 {strides = array<i32>} : memref<256xf32, #tpu.memory_space<vmem>>, vector<16xf32>,
      %add3A_391 = arith.addf %scan3A_356, %exp3A_386 : vector<16xf32>
      %mul3A_392 = arith.constant 16 : i32
      %mul3A_393 = arith.muli %scan3A_353, %mul3A_392 : i32
      %get3A_394 = arith.index_cast %mul3A_393 : i32 to index
      %get3A_395 = tpu.vector_load %arg16[%get3A_394] {strides = array<i32>} : memref<256xf32, #tpu.memory_space<vmem>>, vector<16xf32>,
      %sub3A_396 = vector.broadcast %reduce_max3A_146 : f32 to vector<16xf32>
      %sub3A_397 = arith.subf %get3A_395, %sub3A_396 : vector<16xf32>
      %exp3A_398 = math.exp %sub3A_397 : vector<16xf32>
      %mul3A_399 = arith.constant 16 : i32
      %mul3A_400 = arith.muli %scan3A_353, %mul3A_399 : i32
      %swap3A_401 = arith.index_cast %mul3A_400 : i32 to index
      %swap3A_402 = tpu.vector_load %arg16[%swap3A_401] {strides = array<i32>} : memref<256xf32, #tpu.memory_space<vmem>>, vector<16xf32>,
      tpu.vector_store %arg16[%swap3A_401], %exp3A_398 {strides = array<i32>} : memref<256xf32, #tpu.memory_space<vmem>>, vector<16xf32>,
      %add3A_403 = arith.addf %scan3A_357, %exp3A_398 : vector<16xf32>
      scf.yield %add3A_367, %add3A_379, %add3A_391, %add3A_403 : vector<16xf32>, vector<16xf32>, vector<16xf32>, vector<16xf32>
    }
    %scan3A_154 = arith.constant 13 : i32
    %broadcast_in_dim3A_155 = arith.constant 1.000000e+00 : f32
    %broadcast_in_dim3A_156 = vector.broadcast %broadcast_in_dim3A_155 : f32 to vector<16xf32>
    %reduce_sum3A = arith.constant true
    %reduce_sum3A_157 = vector.broadcast %reduce_sum3A : i1 to vector<16xi1>
    %reduce_sum3A_158 = tpu.scan <sum>, %scan3A_153#0 masked %reduce_sum3A_157 : vector<16xf32>, vector<16xi1> -> vector<16xf32>
    %reduce_sum3A_159 = vector.extract %reduce_sum3A_158[15] : f32 from vector<16xf32>
    %broadcast_in_dim3A_160 = vector.broadcast %reduce_sum3A_159 : f32 to vector<16xf32>
    %div3A = arith.divf %broadcast_in_dim3A_156, %broadcast_in_dim3A_160 : vector<16xf32>
    %reduce_sum3A_161 = arith.constant true
    %reduce_sum3A_162 = vector.broadcast %reduce_sum3A_161 : i1 to vector<16xi1>
    %reduce_sum3A_163 = tpu.scan <sum>, %scan3A_153#1 masked %reduce_sum3A_162 : vector<16xf32>, vector<16xi1> -> vector<16xf32>
    %reduce_sum3A_164 = vector.extract %reduce_sum3A_163[15] : f32 from vector<16xf32>
    %broadcast_in_dim3A_165 = vector.broadcast %reduce_sum3A_164 : f32 to vector<16xf32>
    %div3A_166 = arith.divf %broadcast_in_dim3A_156, %broadcast_in_dim3A_165 : vector<16xf32>
    %reduce_sum3A_167 = arith.constant true
    %reduce_sum3A_168 = vector.broadcast %reduce_sum3A_167 : i1 to vector<16xi1>
    %reduce_sum3A_169 = tpu.scan <sum>, %scan3A_153#2 masked %reduce_sum3A_168 : vector<16xf32>, vector<16xi1> -> vector<16xf32>
    %reduce_sum3A_170 = vector.extract %reduce_sum3A_169[15] : f32 from vector<16xf32>
    %broadcast_in_dim3A_171 = vector.broadcast %reduce_sum3A_170 : f32 to vector<16xf32>
    %div3A_172 = arith.divf %broadcast_in_dim3A_156, %broadcast_in_dim3A_171 : vector<16xf32>
    %reduce_sum3A_173 = arith.constant true
    %reduce_sum3A_174 = vector.broadcast %reduce_sum3A_173 : i1 to vector<16xi1>
    %reduce_sum3A_175 = tpu.scan <sum>, %scan3A_153#3 masked %reduce_sum3A_174 : vector<16xf32>, vector<16xi1> -> vector<16xf32>
    %reduce_sum3A_176 = vector.extract %reduce_sum3A_175[15] : f32 from vector<16xf32>
    %broadcast_in_dim3A_177 = vector.broadcast %reduce_sum3A_176 : f32 to vector<16xf32>
    %div3A_178 = arith.divf %broadcast_in_dim3A_156, %broadcast_in_dim3A_177 : vector<16xf32>
    %scan3A_179 = arith.constant 0 : i32
    %scan3A_180 = arith.constant 0 : i32
    %scan3A_181 = arith.constant 13 : i32
    %scan3A_182 = arith.addi %scan3A_180, %scan3A_181 : i32
    %scan3A_183 = arith.constant 1 : i32
    scf.for %scan3A_353 = %scan3A_180 to %scan3A_182 step %scan3A_183  : i32 {
      %mul3A_354 = arith.constant 16 : i32
      %mul3A_355 = arith.muli %scan3A_353, %mul3A_354 : i32
      %get3A_356 = arith.index_cast %mul3A_355 : i32 to index
      %get3A_357 = tpu.vector_load %arg13[%get3A_356] {strides = array<i32>} : memref<256xf32, #tpu.memory_space<vmem>>, vector<16xf32>,
      %mul3A_358 = arith.mulf %get3A_357, %div3A : vector<16xf32>
      %mul3A_359 = arith.constant 16 : i32
      %mul3A_360 = arith.muli %scan3A_353, %mul3A_359 : i32
      %swap3A_361 = arith.index_cast %mul3A_360 : i32 to index
      %swap3A_362 = tpu.vector_load %arg13[%swap3A_361] {strides = array<i32>} : memref<256xf32, #tpu.memory_space<vmem>>, vector<16xf32>,
      tpu.vector_store %arg13[%swap3A_361], %mul3A_358 {strides = array<i32>} : memref<256xf32, #tpu.memory_space<vmem>>, vector<16xf32>,
      %mul3A_363 = arith.constant 16 : i32
      %mul3A_364 = arith.muli %scan3A_353, %mul3A_363 : i32
      %get3A_365 = arith.index_cast %mul3A_364 : i32 to index
      %get3A_366 = tpu.vector_load %arg14[%get3A_365] {strides = array<i32>} : memref<256xf32, #tpu.memory_space<vmem>>, vector<16xf32>,
      %mul3A_367 = arith.mulf %get3A_366, %div3A_166 : vector<16xf32>
      %mul3A_368 = arith.constant 16 : i32
      %mul3A_369 = arith.muli %scan3A_353, %mul3A_368 : i32
      %swap3A_370 = arith.index_cast %mul3A_369 : i32 to index
      %swap3A_371 = tpu.vector_load %arg14[%swap3A_370] {strides = array<i32>} : memref<256xf32, #tpu.memory_space<vmem>>, vector<16xf32>,
      tpu.vector_store %arg14[%swap3A_370], %mul3A_367 {strides = array<i32>} : memref<256xf32, #tpu.memory_space<vmem>>, vector<16xf32>,
      %mul3A_372 = arith.constant 16 : i32
      %mul3A_373 = arith.muli %scan3A_353, %mul3A_372 : i32
      %get3A_374 = arith.index_cast %mul3A_373 : i32 to index
      %get3A_375 = tpu.vector_load %arg15[%get3A_374] {strides = array<i32>} : memref<256xf32, #tpu.memory_space<vmem>>, vector<16xf32>,
      %mul3A_376 = arith.mulf %get3A_375, %div3A_172 : vector<16xf32>
      %mul3A_377 = arith.constant 16 : i32
      %mul3A_378 = arith.muli %scan3A_353, %mul3A_377 : i32
      %swap3A_379 = arith.index_cast %mul3A_378 : i32 to index
      %swap3A_380 = tpu.vector_load %arg15[%swap3A_379] {strides = array<i32>} : memref<256xf32, #tpu.memory_space<vmem>>, vector<16xf32>,
      tpu.vector_store %arg15[%swap3A_379], %mul3A_376 {strides = array<i32>} : memref<256xf32, #tpu.memory_space<vmem>>, vector<16xf32>,
      %mul3A_381 = arith.constant 16 : i32
      %mul3A_382 = arith.muli %scan3A_353, %mul3A_381 : i32
      %get3A_383 = arith.index_cast %mul3A_382 : i32 to index
      %get3A_384 = tpu.vector_load %arg16[%get3A_383] {strides = array<i32>} : memref<256xf32, #tpu.memory_space<vmem>>, vector<16xf32>,
      %mul3A_385 = arith.mulf %get3A_384, %div3A_178 : vector<16xf32>
      %mul3A_386 = arith.constant 16 : i32
      %mul3A_387 = arith.muli %scan3A_353, %mul3A_386 : i32
      %swap3A_388 = arith.index_cast %mul3A_387 : i32 to index
      %swap3A_389 = tpu.vector_load %arg16[%swap3A_388] {strides = array<i32>} : memref<256xf32, #tpu.memory_space<vmem>>, vector<16xf32>,
      tpu.vector_store %arg16[%swap3A_388], %mul3A_385 {strides = array<i32>} : memref<256xf32, #tpu.memory_space<vmem>>, vector<16xf32>,
    }
    %scan3A_184 = arith.constant 13 : i32
    %add3A_185 = arith.constant 0 : i32
    %add3A_186 = arith.addi %min3A_13, %add3A_185 : i32
    %dma_start3A_187 = arith.constant 0 : i32
    %dma_start3A_188 = tpu.memref_slice %arg13[%dma_start3A_187] : memref<256xf32, #tpu.memory_space<vmem>> -> memref<128xf32, #tpu.memory_space<vmem>>
    %dma_start3A_189 = arith.constant 0 : i32
    %dma_start3A_190 = tpu.memref_slice %arg5[%add3A_186, %dma_start3A_189] : memref<50x200xf32, #tpu.memory_space<hbm>> -> memref<1x128xf32, #tpu.memory_space<hbm>>
    %dma_start3A_191 = tpu.memref_squeeze %dma_start3A_190 : memref<1x128xf32, #tpu.memory_space<hbm>> -> memref<128xf32, #tpu.memory_space<hbm>>
    %dma_start3A_192 = arith.constant 0 : i32
    %dma_start3A_193 = tpu.memref_slice %arg5[%add3A_186, %dma_start3A_192] : memref<50x200xf32, #tpu.memory_space<hbm>> -> memref<1x128xf32, #tpu.memory_space<hbm>>
    %dma_start3A_194 = tpu.memref_squeeze %dma_start3A_193 : memref<1x128xf32, #tpu.memory_space<hbm>> -> memref<128xf32, #tpu.memory_space<hbm>>
    %dma_start3A_195 = arith.constant 0 : i32
    %dma_start3A_196 = tpu.memref_slice %arg13[%dma_start3A_195] : memref<256xf32, #tpu.memory_space<vmem>> -> memref<128xf32, #tpu.memory_space<vmem>>
    tpu.enqueue_dma source(%dma_start3A_196 : memref<128xf32, #tpu.memory_space<vmem>>) target(%dma_start3A_194 : memref<128xf32, #tpu.memory_space<hbm>>) target_semaphore(%arg23 : memref<!tpu.dma_semaphore, #tpu.memory_space<semaphore_mem>>)
    %dma_start3A_197 = arith.constant 128 : i32
    %dma_start3A_198 = tpu.memref_slice %arg13[%dma_start3A_197] : memref<256xf32, #tpu.memory_space<vmem>> -> memref<128xf32, #tpu.memory_space<vmem>>
    %dma_start3A_199 = arith.constant 0 : i32
    %dma_start3A_200 = tpu.memref_slice %arg6[%add3A_186, %dma_start3A_199] : memref<50x128xf32, #tpu.memory_space<hbm>> -> memref<1x128xf32, #tpu.memory_space<hbm>>
    %dma_start3A_201 = tpu.memref_squeeze %dma_start3A_200 : memref<1x128xf32, #tpu.memory_space<hbm>> -> memref<128xf32, #tpu.memory_space<hbm>>
    %dma_start3A_202 = arith.constant 0 : i32
    %dma_start3A_203 = tpu.memref_slice %arg6[%add3A_186, %dma_start3A_202] : memref<50x128xf32, #tpu.memory_space<hbm>> -> memref<1x128xf32, #tpu.memory_space<hbm>>
    %dma_start3A_204 = tpu.memref_squeeze %dma_start3A_203 : memref<1x128xf32, #tpu.memory_space<hbm>> -> memref<128xf32, #tpu.memory_space<hbm>>
    %dma_start3A_205 = arith.constant 128 : i32
    %dma_start3A_206 = tpu.memref_slice %arg13[%dma_start3A_205] : memref<256xf32, #tpu.memory_space<vmem>> -> memref<128xf32, #tpu.memory_space<vmem>>
    tpu.enqueue_dma source(%dma_start3A_206 : memref<128xf32, #tpu.memory_space<vmem>>) target(%dma_start3A_204 : memref<128xf32, #tpu.memory_space<hbm>>) target_semaphore(%arg23 : memref<!tpu.dma_semaphore, #tpu.memory_space<semaphore_mem>>)
    %add3A_207 = arith.constant 1 : i32
    %add3A_208 = arith.addi %min3A_13, %add3A_207 : i32
    %dma_start3A_209 = arith.constant 0 : i32
    %dma_start3A_210 = tpu.memref_slice %arg14[%dma_start3A_209] : memref<256xf32, #tpu.memory_space<vmem>> -> memref<128xf32, #tpu.memory_space<vmem>>
    %dma_start3A_211 = arith.constant 0 : i32
    %dma_start3A_212 = tpu.memref_slice %arg5[%add3A_208, %dma_start3A_211] : memref<50x200xf32, #tpu.memory_space<hbm>> -> memref<1x128xf32, #tpu.memory_space<hbm>>
    %dma_start3A_213 = tpu.memref_squeeze %dma_start3A_212 : memref<1x128xf32, #tpu.memory_space<hbm>> -> memref<128xf32, #tpu.memory_space<hbm>>
    %dma_start3A_214 = arith.constant 0 : i32
    %dma_start3A_215 = tpu.memref_slice %arg5[%add3A_208, %dma_start3A_214] : memref<50x200xf32, #tpu.memory_space<hbm>> -> memref<1x128xf32, #tpu.memory_space<hbm>>
    %dma_start3A_216 = tpu.memref_squeeze %dma_start3A_215 : memref<1x128xf32, #tpu.memory_space<hbm>> -> memref<128xf32, #tpu.memory_space<hbm>>
    %dma_start3A_217 = arith.constant 0 : i32
    %dma_start3A_218 = tpu.memref_slice %arg14[%dma_start3A_217] : memref<256xf32, #tpu.memory_space<vmem>> -> memref<128xf32, #tpu.memory_space<vmem>>
    tpu.enqueue_dma source(%dma_start3A_218 : memref<128xf32, #tpu.memory_space<vmem>>) target(%dma_start3A_216 : memref<128xf32, #tpu.memory_space<hbm>>) target_semaphore(%arg23 : memref<!tpu.dma_semaphore, #tpu.memory_space<semaphore_mem>>)
    %dma_start3A_219 = arith.constant 128 : i32
    %dma_start3A_220 = tpu.memref_slice %arg14[%dma_start3A_219] : memref<256xf32, #tpu.memory_space<vmem>> -> memref<128xf32, #tpu.memory_space<vmem>>
    %dma_start3A_221 = arith.constant 0 : i32
    %dma_start3A_222 = tpu.memref_slice %arg6[%add3A_208, %dma_start3A_221] : memref<50x128xf32, #tpu.memory_space<hbm>> -> memref<1x128xf32, #tpu.memory_space<hbm>>
    %dma_start3A_223 = tpu.memref_squeeze %dma_start3A_222 : memref<1x128xf32, #tpu.memory_space<hbm>> -> memref<128xf32, #tpu.memory_space<hbm>>
    %dma_start3A_224 = arith.constant 0 : i32
    %dma_start3A_225 = tpu.memref_slice %arg6[%add3A_208, %dma_start3A_224] : memref<50x128xf32, #tpu.memory_space<hbm>> -> memref<1x128xf32, #tpu.memory_space<hbm>>
    %dma_start3A_226 = tpu.memref_squeeze %dma_start3A_225 : memref<1x128xf32, #tpu.memory_space<hbm>> -> memref<128xf32, #tpu.memory_space<hbm>>
    %dma_start3A_227 = arith.constant 128 : i32
    %dma_start3A_228 = tpu.memref_slice %arg14[%dma_start3A_227] : memref<256xf32, #tpu.memory_space<vmem>> -> memref<128xf32, #tpu.memory_space<vmem>>
    tpu.enqueue_dma source(%dma_start3A_228 : memref<128xf32, #tpu.memory_space<vmem>>) target(%dma_start3A_226 : memref<128xf32, #tpu.memory_space<hbm>>) target_semaphore(%arg23 : memref<!tpu.dma_semaphore, #tpu.memory_space<semaphore_mem>>)
    %add3A_229 = arith.constant 2 : i32
    %add3A_230 = arith.addi %min3A_13, %add3A_229 : i32
    %dma_start3A_231 = arith.constant 0 : i32
    %dma_start3A_232 = tpu.memref_slice %arg15[%dma_start3A_231] : memref<256xf32, #tpu.memory_space<vmem>> -> memref<128xf32, #tpu.memory_space<vmem>>
    %dma_start3A_233 = arith.constant 0 : i32
    %dma_start3A_234 = tpu.memref_slice %arg5[%add3A_230, %dma_start3A_233] : memref<50x200xf32, #tpu.memory_space<hbm>> -> memref<1x128xf32, #tpu.memory_space<hbm>>
    %dma_start3A_235 = tpu.memref_squeeze %dma_start3A_234 : memref<1x128xf32, #tpu.memory_space<hbm>> -> memref<128xf32, #tpu.memory_space<hbm>>
    %dma_start3A_236 = arith.constant 0 : i32
    %dma_start3A_237 = tpu.memref_slice %arg5[%add3A_230, %dma_start3A_236] : memref<50x200xf32, #tpu.memory_space<hbm>> -> memref<1x128xf32, #tpu.memory_space<hbm>>
    %dma_start3A_238 = tpu.memref_squeeze %dma_start3A_237 : memref<1x128xf32, #tpu.memory_space<hbm>> -> memref<128xf32, #tpu.memory_space<hbm>>
    %dma_start3A_239 = arith.constant 0 : i32
    %dma_start3A_240 = tpu.memref_slice %arg15[%dma_start3A_239] : memref<256xf32, #tpu.memory_space<vmem>> -> memref<128xf32, #tpu.memory_space<vmem>>
    tpu.enqueue_dma source(%dma_start3A_240 : memref<128xf32, #tpu.memory_space<vmem>>) target(%dma_start3A_238 : memref<128xf32, #tpu.memory_space<hbm>>) target_semaphore(%arg23 : memref<!tpu.dma_semaphore, #tpu.memory_space<semaphore_mem>>)
    %dma_start3A_241 = arith.constant 128 : i32
    %dma_start3A_242 = tpu.memref_slice %arg15[%dma_start3A_241] : memref<256xf32, #tpu.memory_space<vmem>> -> memref<128xf32, #tpu.memory_space<vmem>>
    %dma_start3A_243 = arith.constant 0 : i32
    %dma_start3A_244 = tpu.memref_slice %arg6[%add3A_230, %dma_start3A_243] : memref<50x128xf32, #tpu.memory_space<hbm>> -> memref<1x128xf32, #tpu.memory_space<hbm>>
    %dma_start3A_245 = tpu.memref_squeeze %dma_start3A_244 : memref<1x128xf32, #tpu.memory_space<hbm>> -> memref<128xf32, #tpu.memory_space<hbm>>
    %dma_start3A_246 = arith.constant 0 : i32
    %dma_start3A_247 = tpu.memref_slice %arg6[%add3A_230, %dma_start3A_246] : memref<50x128xf32, #tpu.memory_space<hbm>> -> memref<1x128xf32, #tpu.memory_space<hbm>>
    %dma_start3A_248 = tpu.memref_squeeze %dma_start3A_247 : memref<1x128xf32, #tpu.memory_space<hbm>> -> memref<128xf32, #tpu.memory_space<hbm>>
    %dma_start3A_249 = arith.constant 128 : i32
    %dma_start3A_250 = tpu.memref_slice %arg15[%dma_start3A_249] : memref<256xf32, #tpu.memory_space<vmem>> -> memref<128xf32, #tpu.memory_space<vmem>>
    tpu.enqueue_dma source(%dma_start3A_250 : memref<128xf32, #tpu.memory_space<vmem>>) target(%dma_start3A_248 : memref<128xf32, #tpu.memory_space<hbm>>) target_semaphore(%arg23 : memref<!tpu.dma_semaphore, #tpu.memory_space<semaphore_mem>>)
    %add3A_251 = arith.constant 3 : i32
    %add3A_252 = arith.addi %min3A_13, %add3A_251 : i32
    %dma_start3A_253 = arith.constant 0 : i32
    %dma_start3A_254 = tpu.memref_slice %arg16[%dma_start3A_253] : memref<256xf32, #tpu.memory_space<vmem>> -> memref<128xf32, #tpu.memory_space<vmem>>
    %dma_start3A_255 = arith.constant 0 : i32
    %dma_start3A_256 = tpu.memref_slice %arg5[%add3A_252, %dma_start3A_255] : memref<50x200xf32, #tpu.memory_space<hbm>> -> memref<1x128xf32, #tpu.memory_space<hbm>>
    %dma_start3A_257 = tpu.memref_squeeze %dma_start3A_256 : memref<1x128xf32, #tpu.memory_space<hbm>> -> memref<128xf32, #tpu.memory_space<hbm>>
    %dma_start3A_258 = arith.constant 0 : i32
    %dma_start3A_259 = tpu.memref_slice %arg5[%add3A_252, %dma_start3A_258] : memref<50x200xf32, #tpu.memory_space<hbm>> -> memref<1x128xf32, #tpu.memory_space<hbm>>
    %dma_start3A_260 = tpu.memref_squeeze %dma_start3A_259 : memref<1x128xf32, #tpu.memory_space<hbm>> -> memref<128xf32, #tpu.memory_space<hbm>>
    %dma_start3A_261 = arith.constant 0 : i32
    %dma_start3A_262 = tpu.memref_slice %arg16[%dma_start3A_261] : memref<256xf32, #tpu.memory_space<vmem>> -> memref<128xf32, #tpu.memory_space<vmem>>
    tpu.enqueue_dma source(%dma_start3A_262 : memref<128xf32, #tpu.memory_space<vmem>>) target(%dma_start3A_260 : memref<128xf32, #tpu.memory_space<hbm>>) target_semaphore(%arg23 : memref<!tpu.dma_semaphore, #tpu.memory_space<semaphore_mem>>)
    %dma_start3A_263 = arith.constant 128 : i32
    %dma_start3A_264 = tpu.memref_slice %arg16[%dma_start3A_263] : memref<256xf32, #tpu.memory_space<vmem>> -> memref<128xf32, #tpu.memory_space<vmem>>
    %dma_start3A_265 = arith.constant 0 : i32
    %dma_start3A_266 = tpu.memref_slice %arg6[%add3A_252, %dma_start3A_265] : memref<50x128xf32, #tpu.memory_space<hbm>> -> memref<1x128xf32, #tpu.memory_space<hbm>>
    %dma_start3A_267 = tpu.memref_squeeze %dma_start3A_266 : memref<1x128xf32, #tpu.memory_space<hbm>> -> memref<128xf32, #tpu.memory_space<hbm>>
    %dma_start3A_268 = arith.constant 0 : i32
    %dma_start3A_269 = tpu.memref_slice %arg6[%add3A_252, %dma_start3A_268] : memref<50x128xf32, #tpu.memory_space<hbm>> -> memref<1x128xf32, #tpu.memory_space<hbm>>
    %dma_start3A_270 = tpu.memref_squeeze %dma_start3A_269 : memref<1x128xf32, #tpu.memory_space<hbm>> -> memref<128xf32, #tpu.memory_space<hbm>>
    %dma_start3A_271 = arith.constant 128 : i32
    %dma_start3A_272 = tpu.memref_slice %arg16[%dma_start3A_271] : memref<256xf32, #tpu.memory_space<vmem>> -> memref<128xf32, #tpu.memory_space<vmem>>
    tpu.enqueue_dma source(%dma_start3A_272 : memref<128xf32, #tpu.memory_space<vmem>>) target(%dma_start3A_270 : memref<128xf32, #tpu.memory_space<hbm>>) target_semaphore(%arg23 : memref<!tpu.dma_semaphore, #tpu.memory_space<semaphore_mem>>)
    %dma_wait3A_273 = arith.constant 0 : i32
    %dma_wait3A_274 = tpu.memref_slice %arg13[%dma_wait3A_273] : memref<256xf32, #tpu.memory_space<vmem>> -> memref<128xf32, #tpu.memory_space<vmem>>
    %dma_wait3A_275 = arith.constant 0 : i32
    %dma_wait3A_276 = tpu.memref_slice %arg5[%add3A_186, %dma_wait3A_275] : memref<50x200xf32, #tpu.memory_space<hbm>> -> memref<1x128xf32, #tpu.memory_space<hbm>>
    %dma_wait3A_277 = tpu.memref_squeeze %dma_wait3A_276 : memref<1x128xf32, #tpu.memory_space<hbm>> -> memref<128xf32, #tpu.memory_space<hbm>>
    %dma_wait3A_278 = arith.constant 0 : i32
    %dma_wait3A_279 = tpu.memref_slice %arg5[%add3A_186, %dma_wait3A_278] : memref<50x200xf32, #tpu.memory_space<hbm>> -> memref<1x128xf32, #tpu.memory_space<hbm>>
    %dma_wait3A_280 = tpu.memref_squeeze %dma_wait3A_279 : memref<1x128xf32, #tpu.memory_space<hbm>> -> memref<128xf32, #tpu.memory_space<hbm>>
    %dma_wait3A_281 = arith.constant 0 : i32
    %dma_wait3A_282 = tpu.memref_slice %arg13[%dma_wait3A_281] : memref<256xf32, #tpu.memory_space<vmem>> -> memref<128xf32, #tpu.memory_space<vmem>>
    tpu.wait_dma2 semaphore(%arg23 : memref<!tpu.dma_semaphore, #tpu.memory_space<semaphore_mem>>) src(%dma_wait3A_282 : memref<128xf32, #tpu.memory_space<vmem>>) dst(%dma_wait3A_280 : memref<128xf32, #tpu.memory_space<hbm>>)
    %dma_wait3A_283 = arith.constant 128 : i32
    %dma_wait3A_284 = tpu.memref_slice %arg13[%dma_wait3A_283] : memref<256xf32, #tpu.memory_space<vmem>> -> memref<128xf32, #tpu.memory_space<vmem>>
    %dma_wait3A_285 = arith.constant 0 : i32
    %dma_wait3A_286 = tpu.memref_slice %arg6[%add3A_186, %dma_wait3A_285] : memref<50x128xf32, #tpu.memory_space<hbm>> -> memref<1x128xf32, #tpu.memory_space<hbm>>
    %dma_wait3A_287 = tpu.memref_squeeze %dma_wait3A_286 : memref<1x128xf32, #tpu.memory_space<hbm>> -> memref<128xf32, #tpu.memory_space<hbm>>
    %dma_wait3A_288 = arith.constant 0 : i32
    %dma_wait3A_289 = tpu.memref_slice %arg6[%add3A_186, %dma_wait3A_288] : memref<50x128xf32, #tpu.memory_space<hbm>> -> memref<1x128xf32, #tpu.memory_space<hbm>>
    %dma_wait3A_290 = tpu.memref_squeeze %dma_wait3A_289 : memref<1x128xf32, #tpu.memory_space<hbm>> -> memref<128xf32, #tpu.memory_space<hbm>>
    %dma_wait3A_291 = arith.constant 128 : i32
    %dma_wait3A_292 = tpu.memref_slice %arg13[%dma_wait3A_291] : memref<256xf32, #tpu.memory_space<vmem>> -> memref<128xf32, #tpu.memory_space<vmem>>
    tpu.wait_dma2 semaphore(%arg23 : memref<!tpu.dma_semaphore, #tpu.memory_space<semaphore_mem>>) src(%dma_wait3A_292 : memref<128xf32, #tpu.memory_space<vmem>>) dst(%dma_wait3A_290 : memref<128xf32, #tpu.memory_space<hbm>>)
    %dma_wait3A_293 = arith.constant 0 : i32
    %dma_wait3A_294 = tpu.memref_slice %arg14[%dma_wait3A_293] : memref<256xf32, #tpu.memory_space<vmem>> -> memref<128xf32, #tpu.memory_space<vmem>>
    %dma_wait3A_295 = arith.constant 0 : i32
    %dma_wait3A_296 = tpu.memref_slice %arg5[%add3A_208, %dma_wait3A_295] : memref<50x200xf32, #tpu.memory_space<hbm>> -> memref<1x128xf32, #tpu.memory_space<hbm>>
    %dma_wait3A_297 = tpu.memref_squeeze %dma_wait3A_296 : memref<1x128xf32, #tpu.memory_space<hbm>> -> memref<128xf32, #tpu.memory_space<hbm>>
    %dma_wait3A_298 = arith.constant 0 : i32
    %dma_wait3A_299 = tpu.memref_slice %arg5[%add3A_208, %dma_wait3A_298] : memref<50x200xf32, #tpu.memory_space<hbm>> -> memref<1x128xf32, #tpu.memory_space<hbm>>
    %dma_wait3A_300 = tpu.memref_squeeze %dma_wait3A_299 : memref<1x128xf32, #tpu.memory_space<hbm>> -> memref<128xf32, #tpu.memory_space<hbm>>
    %dma_wait3A_301 = arith.constant 0 : i32
    %dma_wait3A_302 = tpu.memref_slice %arg14[%dma_wait3A_301] : memref<256xf32, #tpu.memory_space<vmem>> -> memref<128xf32, #tpu.memory_space<vmem>>
    tpu.wait_dma2 semaphore(%arg23 : memref<!tpu.dma_semaphore, #tpu.memory_space<semaphore_mem>>) src(%dma_wait3A_302 : memref<128xf32, #tpu.memory_space<vmem>>) dst(%dma_wait3A_300 : memref<128xf32, #tpu.memory_space<hbm>>)
    %dma_wait3A_303 = arith.constant 128 : i32
    %dma_wait3A_304 = tpu.memref_slice %arg14[%dma_wait3A_303] : memref<256xf32, #tpu.memory_space<vmem>> -> memref<128xf32, #tpu.memory_space<vmem>>
    %dma_wait3A_305 = arith.constant 0 : i32
    %dma_wait3A_306 = tpu.memref_slice %arg6[%add3A_208, %dma_wait3A_305] : memref<50x128xf32, #tpu.memory_space<hbm>> -> memref<1x128xf32, #tpu.memory_space<hbm>>
    %dma_wait3A_307 = tpu.memref_squeeze %dma_wait3A_306 : memref<1x128xf32, #tpu.memory_space<hbm>> -> memref<128xf32, #tpu.memory_space<hbm>>
    %dma_wait3A_308 = arith.constant 0 : i32
    %dma_wait3A_309 = tpu.memref_slice %arg6[%add3A_208, %dma_wait3A_308] : memref<50x128xf32, #tpu.memory_space<hbm>> -> memref<1x128xf32, #tpu.memory_space<hbm>>
    %dma_wait3A_310 = tpu.memref_squeeze %dma_wait3A_309 : memref<1x128xf32, #tpu.memory_space<hbm>> -> memref<128xf32, #tpu.memory_space<hbm>>
    %dma_wait3A_311 = arith.constant 128 : i32
    %dma_wait3A_312 = tpu.memref_slice %arg14[%dma_wait3A_311] : memref<256xf32, #tpu.memory_space<vmem>> -> memref<128xf32, #tpu.memory_space<vmem>>
    tpu.wait_dma2 semaphore(%arg23 : memref<!tpu.dma_semaphore, #tpu.memory_space<semaphore_mem>>) src(%dma_wait3A_312 : memref<128xf32, #tpu.memory_space<vmem>>) dst(%dma_wait3A_310 : memref<128xf32, #tpu.memory_space<hbm>>)
    %dma_wait3A_313 = arith.constant 0 : i32
    %dma_wait3A_314 = tpu.memref_slice %arg15[%dma_wait3A_313] : memref<256xf32, #tpu.memory_space<vmem>> -> memref<128xf32, #tpu.memory_space<vmem>>
    %dma_wait3A_315 = arith.constant 0 : i32
    %dma_wait3A_316 = tpu.memref_slice %arg5[%add3A_230, %dma_wait3A_315] : memref<50x200xf32, #tpu.memory_space<hbm>> -> memref<1x128xf32, #tpu.memory_space<hbm>>
    %dma_wait3A_317 = tpu.memref_squeeze %dma_wait3A_316 : memref<1x128xf32, #tpu.memory_space<hbm>> -> memref<128xf32, #tpu.memory_space<hbm>>
    %dma_wait3A_318 = arith.constant 0 : i32
    %dma_wait3A_319 = tpu.memref_slice %arg5[%add3A_230, %dma_wait3A_318] : memref<50x200xf32, #tpu.memory_space<hbm>> -> memref<1x128xf32, #tpu.memory_space<hbm>>
    %dma_wait3A_320 = tpu.memref_squeeze %dma_wait3A_319 : memref<1x128xf32, #tpu.memory_space<hbm>> -> memref<128xf32, #tpu.memory_space<hbm>>
    %dma_wait3A_321 = arith.constant 0 : i32
    %dma_wait3A_322 = tpu.memref_slice %arg15[%dma_wait3A_321] : memref<256xf32, #tpu.memory_space<vmem>> -> memref<128xf32, #tpu.memory_space<vmem>>
    tpu.wait_dma2 semaphore(%arg23 : memref<!tpu.dma_semaphore, #tpu.memory_space<semaphore_mem>>) src(%dma_wait3A_322 : memref<128xf32, #tpu.memory_space<vmem>>) dst(%dma_wait3A_320 : memref<128xf32, #tpu.memory_space<hbm>>)
    %dma_wait3A_323 = arith.constant 128 : i32
    %dma_wait3A_324 = tpu.memref_slice %arg15[%dma_wait3A_323] : memref<256xf32, #tpu.memory_space<vmem>> -> memref<128xf32, #tpu.memory_space<vmem>>
    %dma_wait3A_325 = arith.constant 0 : i32
    %dma_wait3A_326 = tpu.memref_slice %arg6[%add3A_230, %dma_wait3A_325] : memref<50x128xf32, #tpu.memory_space<hbm>> -> memref<1x128xf32, #tpu.memory_space<hbm>>
    %dma_wait3A_327 = tpu.memref_squeeze %dma_wait3A_326 : memref<1x128xf32, #tpu.memory_space<hbm>> -> memref<128xf32, #tpu.memory_space<hbm>>
    %dma_wait3A_328 = arith.constant 0 : i32
    %dma_wait3A_329 = tpu.memref_slice %arg6[%add3A_230, %dma_wait3A_328] : memref<50x128xf32, #tpu.memory_space<hbm>> -> memref<1x128xf32, #tpu.memory_space<hbm>>
    %dma_wait3A_330 = tpu.memref_squeeze %dma_wait3A_329 : memref<1x128xf32, #tpu.memory_space<hbm>> -> memref<128xf32, #tpu.memory_space<hbm>>
    %dma_wait3A_331 = arith.constant 128 : i32
    %dma_wait3A_332 = tpu.memref_slice %arg15[%dma_wait3A_331] : memref<256xf32, #tpu.memory_space<vmem>> -> memref<128xf32, #tpu.memory_space<vmem>>
    tpu.wait_dma2 semaphore(%arg23 : memref<!tpu.dma_semaphore, #tpu.memory_space<semaphore_mem>>) src(%dma_wait3A_332 : memref<128xf32, #tpu.memory_space<vmem>>) dst(%dma_wait3A_330 : memref<128xf32, #tpu.memory_space<hbm>>)
    %dma_wait3A_333 = arith.constant 0 : i32
    %dma_wait3A_334 = tpu.memref_slice %arg16[%dma_wait3A_333] : memref<256xf32, #tpu.memory_space<vmem>> -> memref<128xf32, #tpu.memory_space<vmem>>
    %dma_wait3A_335 = arith.constant 0 : i32
    %dma_wait3A_336 = tpu.memref_slice %arg5[%add3A_252, %dma_wait3A_335] : memref<50x200xf32, #tpu.memory_space<hbm>> -> memref<1x128xf32, #tpu.memory_space<hbm>>
    %dma_wait3A_337 = tpu.memref_squeeze %dma_wait3A_336 : memref<1x128xf32, #tpu.memory_space<hbm>> -> memref<128xf32, #tpu.memory_space<hbm>>
    %dma_wait3A_338 = arith.constant 0 : i32
    %dma_wait3A_339 = tpu.memref_slice %arg5[%add3A_252, %dma_wait3A_338] : memref<50x200xf32, #tpu.memory_space<hbm>> -> memref<1x128xf32, #tpu.memory_space<hbm>>
    %dma_wait3A_340 = tpu.memref_squeeze %dma_wait3A_339 : memref<1x128xf32, #tpu.memory_space<hbm>> -> memref<128xf32, #tpu.memory_space<hbm>>
    %dma_wait3A_341 = arith.constant 0 : i32
    %dma_wait3A_342 = tpu.memref_slice %arg16[%dma_wait3A_341] : memref<256xf32, #tpu.memory_space<vmem>> -> memref<128xf32, #tpu.memory_space<vmem>>
    tpu.wait_dma2 semaphore(%arg23 : memref<!tpu.dma_semaphore, #tpu.memory_space<semaphore_mem>>) src(%dma_wait3A_342 : memref<128xf32, #tpu.memory_space<vmem>>) dst(%dma_wait3A_340 : memref<128xf32, #tpu.memory_space<hbm>>)
    %dma_wait3A_343 = arith.constant 128 : i32
    %dma_wait3A_344 = tpu.memref_slice %arg16[%dma_wait3A_343] : memref<256xf32, #tpu.memory_space<vmem>> -> memref<128xf32, #tpu.memory_space<vmem>>
    %dma_wait3A_345 = arith.constant 0 : i32
    %dma_wait3A_346 = tpu.memref_slice %arg6[%add3A_252, %dma_wait3A_345] : memref<50x128xf32, #tpu.memory_space<hbm>> -> memref<1x128xf32, #tpu.memory_space<hbm>>
    %dma_wait3A_347 = tpu.memref_squeeze %dma_wait3A_346 : memref<1x128xf32, #tpu.memory_space<hbm>> -> memref<128xf32, #tpu.memory_space<hbm>>
    %dma_wait3A_348 = arith.constant 0 : i32
    %dma_wait3A_349 = tpu.memref_slice %arg6[%add3A_252, %dma_wait3A_348] : memref<50x128xf32, #tpu.memory_space<hbm>> -> memref<1x128xf32, #tpu.memory_space<hbm>>
    %dma_wait3A_350 = tpu.memref_squeeze %dma_wait3A_349 : memref<1x128xf32, #tpu.memory_space<hbm>> -> memref<128xf32, #tpu.memory_space<hbm>>
    %dma_wait3A_351 = arith.constant 128 : i32
    %dma_wait3A_352 = tpu.memref_slice %arg16[%dma_wait3A_351] : memref<256xf32, #tpu.memory_space<vmem>> -> memref<128xf32, #tpu.memory_space<vmem>>
    tpu.wait_dma2 semaphore(%arg23 : memref<!tpu.dma_semaphore, #tpu.memory_space<semaphore_mem>>) src(%dma_wait3A_352 : memref<128xf32, #tpu.memory_space<vmem>>) dst(%dma_wait3A_350 : memref<128xf32, #tpu.memory_space<hbm>>)
    return
  }
}

</mosaic_0001>

<sc_bundles>
// kernel: _run.3.cloned.1.call-start
scs
__scs_entry_jumppad:
0x0: {  	(pc) =	sbr.rel $0x88, $3  }
0x1: {  	(tag) =	ssettag $0x0;
	lr =	simm.s32 $0x1  }
0x2: {  	[smem:$0x3F9E] =	sst lr;
	_ =	strace $0xD0000000  }
0x3: {  	_ = 	snop  }
0x4: {  	_ = 	snop  }
0x5: {  	_ = 	snop  }
0x6: {  	_ = 	snop  }
0x7: {  	_ = 	snop  }
__scs_overlays_trampoline_lowered:
0x8: {  	[smem:$0x3FAD] =	sst s0  }
0x9: {  	[smem:$0x3FAE] =	sst s1  }
0xa: {  	[smem:$0x3FAF] =	sst s2  }
0xb: {  	[smem:$0x3FB0] =	sst s3  }
0xc: {  	[smem:$0x3FB1] =	sst s4  }
0xd: {  	[smem:$0x3FB2] =	sst s5  }
0xe: {  	[smem:$0x3FB3] =	sst s6  }
0xf: {  	[smem:$0x3FB4] =	sst s7  }
0x10: {  	[smem:$0x3FB5] =	sst s8  }
0x11: {  	[smem:$0x3FB6] =	sst s9;
	s0 =	simm.s32 @!p0 $0x0  }
0x12: {  	s1 =	sld [smem:$0x3F9C];
	s0 =	simm.s32 @p0 $0x1  }
0x13: {  	[smem:$0x3FB7] =	sst s0;
	s0 =	simm.s32 @!p1 $0x0  }
0x14: {  	s2 =	sld [smem:$0x3F9B];
	s0 =	simm.s32 @p1 $0x1  }
0x15: {  	[smem:$0x3FB8] =	sst s0;
	s0 =	simm.s32 @!p2 $0x0  }
0x16: {  	s3 =	sld [smem:$0x3FDB];
	s0 =	simm.s32 @p2 $0x1  }
0x17: {  	s4 =	simm.s32 $0x1BF5;
	[smem:$0x3FBA] =	sst s0  }
0x18: {  	s0 =	sld [smem:$0x3F9D];
	_ =	swait.ge [sflag:s4], $0x0  }
0x19: {  	s7 =	sld [smem:$0x3F9E]  }
0x1a: {  	s8 =	sadd.s32 $0xFFFFE003, lr  }
0x1b: {  	s9 =	sadd.s32 $0xFFFFFEF7, lr;
	s5 =	simm.s32 $0xFFFFFFFF;
	p2 =	slt.u32 s8, $0xFFFFF086  }
0x1c: {  	p1 =	slt.u32 s9, $0xF7A;
	s5 =	simm.s32 @!p2 $0x0  }
0x1d: {  	s5 =	simm.s32 @p1 $0x1;
	p0 =	seq.s32 s7, s2  }
0x1e: {  	s7 =	smul.u32 @!p0 $0xF7A, s2;
	p2 =	seq.s32 @!p0 s5, $0x0  }
0x1f: {  	s9 =	smul.u32 $0xF7A, s1;
	s8 =	simm.s32 @!p0 $0x1BF5;
	p2 =	por !p2, p0  }
0x20: {  	[sflag:s8] =	ssyncset.s32 @!p0 $0xFFFFF086;
	s6 =	sadd.s32 @!p0 s3, s7;
	s7 =	simm.s32 @!p0 $0x108  }
0x21: {  	s3 =	sadd.s32 s3, s9;
	s6 =	sadd.s32 @!p0 $0x88, s6;
	s7 =	simm.s32 @p2 $0x1082  }
0x22: {  	[simem:s7], [sflag:s8] =	dma.local @!p0 [hbm:s6], $0xF7A  }
0x23: {  	s9 =	sor.u32 $0xD0000000, s2;
	s6 =	simm.s32 $0x108;
	_ =	swait.ge @!p0 [sflag:s8], $0x0  }
0x24: {  	s3 =	sadd.s32 $0x88, s3;
	s6 =	simm.s32 @!p1 $0x1082;
	[sflag:s4] =	ssyncset.s32 $0xFFFFF086  }
0x25: {  	[simem:s6], [sflag:s4] =	dma.local [hbm:s3], $0xF7A  }
0x26: {  	[smem:$0x3F9E] =	sst s1;
	(tag) =	ssettag s2;
	_ =	strace s9  }
0x27: {  	s1 =	sld [smem:$0x3FAE]  }
0x28: {  	s2 =	sld [smem:$0x3FAF]  }
0x29: {  	s4 =	sld [smem:$0x3FB1]  }
0x2a: {  	p0 =	seq.s32 s5, $0x0;
	s5 =	sld [smem:$0x3FB2]  }
0x2b: {  	s6 =	sld [smem:$0x3FB3]  }
0x2c: {  	s7 =	sld [smem:$0x3FB4]  }
0x2d: {  	s3 =	simm.s32 $0x108;
	s8 =	sld [smem:$0x3FB5]  }
0x2e: {  	s3 =	simm.s32 @!p0 $0x1082;
	s9 =	sld [smem:$0x3FB6]  }
0x2f: {  	lr =	sadd.s32 s0, s3;
	s0 =	sld [smem:$0x3FAD]  }
0x30: {  	s3 =	sld [smem:$0x3FB0]  }
0x31: {  	[smem:$0x3FB9] =	sst s10  }
0x32: {  	s10 =	sld [smem:$0x3FB7];
	_ =	sdelay $0x3  }
0x33: {  	p0 =	seq.s32 s10, $0x1;
	s10 =	sld [smem:$0x3FB9];
	_ =	sdelay $0x3  }
0x34: {  	[smem:$0x3FB9] =	sst s10  }
0x35: {  	s10 =	sld [smem:$0x3FB8];
	_ =	sdelay $0x3  }
0x36: {  	p1 =	seq.s32 s10, $0x1;
	s10 =	sld [smem:$0x3FB9];
	_ =	sdelay $0x3  }
0x37: {  	[smem:$0x3FB9] =	sst s10  }
0x38: {  	s10 =	sld [smem:$0x3FBA]  }
0x39: {  	_ = 	snop;
	(pc) =	sbr.ind lr, $3  }
0x3a: {  	_ = 	snop  }
0x3b: {  	_ = 	snop  }
0x3c: {  	p2 =	seq.s32 s10, $0x1;
	s10 =	sld [smem:$0x3FB9]  }
0x3d: {  	_ =	shalt  }
0x3e: {  	_ =	shalt  }
0x3f: {  	_ =	shalt  }
0x40: {  	_ =	shalt  }
0x41: {  	_ =	shalt  }
0x42: {  	_ =	shalt  }
0x43: {  	_ =	shalt  }
0x44: {  	_ =	shalt  }
0x45: {  	_ =	shalt  }
0x46: {  	_ =	shalt  }
0x47: {  	_ =	shalt  }
0x48: {  	_ =	shalt  }
0x49: {  	_ =	shalt  }
0x4a: {  	_ =	shalt  }
0x4b: {  	_ =	shalt  }
0x4c: {  	_ =	shalt  }
0x4d: {  	_ =	shalt  }
0x4e: {  	_ =	shalt  }
0x4f: {  	_ =	shalt  }
0x50: {  	_ =	shalt  }
0x51: {  	_ =	shalt  }
0x52: {  	_ =	shalt  }
0x53: {  	_ =	shalt  }
0x54: {  	_ =	shalt  }
0x55: {  	_ =	shalt  }
0x56: {  	_ =	shalt  }
0x57: {  	_ =	shalt  }
0x58: {  	_ =	shalt  }
0x59: {  	_ =	shalt  }
0x5a: {  	_ =	shalt  }
0x5b: {  	_ =	shalt  }
0x5c: {  	_ =	shalt  }
0x5d: {  	_ =	shalt  }
0x5e: {  	_ =	shalt  }
0x5f: {  	_ =	shalt  }
0x60: {  	_ =	shalt  }
0x61: {  	_ =	shalt  }
0x62: {  	_ =	shalt  }
0x63: {  	_ =	shalt  }
0x64: {  	_ =	shalt  }
0x65: {  	_ =	shalt  }
0x66: {  	_ =	shalt  }
0x67: {  	_ =	shalt  }
0x68: {  	_ =	shalt  }
0x69: {  	_ =	shalt  }
0x6a: {  	_ =	shalt  }
0x6b: {  	_ =	shalt  }
0x6c: {  	_ =	shalt  }
0x6d: {  	_ =	shalt  }
0x6e: {  	_ =	shalt  }
0x6f: {  	_ =	shalt  }
0x70: {  	_ =	shalt  }
0x71: {  	_ =	shalt  }
0x72: {  	_ =	shalt  }
0x73: {  	_ =	shalt  }
0x74: {  	_ =	shalt  }
0x75: {  	_ =	shalt  }
0x76: {  	_ =	shalt  }
0x77: {  	_ =	shalt  }
0x78: {  	_ =	shalt  }
0x79: {  	_ =	shalt  }
0x7a: {  	_ =	shalt  }
0x7b: {  	_ =	shalt  }
0x7c: {  	_ =	shalt  }
0x7d: {  	_ =	shalt  }
0x7e: {  	_ =	shalt  }
0x7f: {  	_ =	shalt  }
0x80: {  	_ =	shalt  }
0x81: {  	_ =	shalt  }
0x82: {  	_ =	shalt  }
0x83: {  	_ =	shalt  }
0x84: {  	_ =	shalt  }
0x85: {  	_ =	shalt  }
0x86: {  	_ =	shalt  }
0x87: {  	_ =	shalt  }
.Lfunc_end0:
.L_simem_size_0:
called_computation_lowered:
.L_overlay_start_0:
0x88: {  	s0 =	sld [smem:$0x3FD9]  }
0x89: {  	s1 =	sld [smem:$0x3FFE];
	_ =	sdelay $0x3  }
0x8a: {  	s0 =	sadd.s32 s1, s0  }
0x8b: {  	[smem:$0x3FC5] =	sst s0  }
0x8c: {  	_ = 	snop  }
0x8d: {  	s0 =	sld [smem:$0x3FC9]  }
0x8e: {  	s16 =	sld [smem:$0x3FC8]  }
0x8f: {  	s2 =	sld [smem:$0x3FC7]  }
0x90: {  	s3 =	sld [smem:$0x3FD0];
	(tm) =	ssettm $0x1  }
0x91: {  	s4 =	sld [smem:$0x3FFB];
	_ =	sdelay $0x3  }
0x92: {  	_ =	strace s4  }
0x93: {  	s4 =	sld [smem:$0x3FFC];
	_ =	sdelay $0x3  }
0x94: {  	_ =	strace s4  }
0x95: {  	s4 =	sld [smem:$0x3FFD];
	_ =	sdelay $0x3  }
0x96: {  	_ =	strace s4  }
0x97: {  	_ =	strace $0x8FFFFFFF  }
0x98: {  	s17 =	sld [smem:$0x3FDB];
	_ =	sdelay $0x1  }
0x99: {  	s5 =	simm.s32 $_scs_section_size  }
0x9a: {  	s6 =	simm.s32 $_size__tile_overlayer_lowered;
	s7 =	simm.s32 $_tile_overlayer_lowered  }
0x9b: {  	s20 =	simm.s32 $0x1BFF;
	s19 =	sshll.u32 s7, $0x1;
	s4 =	sadd.s32 s5, s17  }
0x9c: {  	s8 =	simm.s32 $0x0;
	s18 =	sshll.u32 s6, $0x1;
	s6 =	sadd.s32 s19, s4  }
0x9d: {  	[timem:s8], [sflag:s20] =	dma.local [hbm:s6], s18  }
0x9e: {  	_ =	swait.ge [sflag:s20], s18  }
0x9f: {  	s5 =	ssub.s32 $0x0, s18;
	[sflag:s20] =	ssyncset.done $0x0  }
0xa0: {  	[sflag:s20] =	ssyncadd.s32 s5;
	_ =	sdelay $0x1  }
0xa1: {  	s21 =	simm.s32 $0x1B8B  }
0xa2: {  	_ =	swait.ge [sflag:s21], $0x1  }
0xa3: {  	[sflag:s21] =	ssyncset.done $0x0  }
0xa4: {  	s23 =	simm.s32 $0x1B8E;
	s22 =	sld [smem:$0x3FFE];
	[sflag:s21] =	ssyncadd.s32 $0xFFFFFFFF  }
0xa5: {  	s24 =	simm.s32 $execute0_lowered;
	[smem:$0x3FD2] =	sst s23  }
0xa6: {  	s6 =	sshll.u32 s24, $0x1;
	_ =	strace $0x80000046;
	[dreg:$0x1] =	wrdreg $0xFFFFFFFF  }
0xa7: {  	s25 =	simm.s32 $_size_execute0_lowered;
	s4 =	sadd.s32 s4, s6;
	[dreg:$0x0] =	wrdreg $0x0  }
0xa8: {  	s6 =	sshll.u32 s25, $0x1;
	[dreg:$0x2] =	wrdreg s4  }
0xa9: {  	[dreg:$0x3] =	wrdreg s6  }
0xaa: {  	[dreg:$0x4] =	wrdreg $0xC0  }
0xab: {  	_ =	task [dreg:s8], $0x5FFFF  }
0xac: {  	[dreg:$0x1] =	wrdreg $0xFFFFFFFF  }
0xad: {  	[dreg:$0x0] =	wrdreg $0x60  }
0xae: {  	[dreg:$0x2] =	wrdreg s0  }
0xaf: {  	[dreg:$0x3] =	wrdreg s16  }
0xb0: {  	[dreg:$0x4] =	wrdreg s2  }
0xb1: {  	[dreg:$0x5] =	wrdreg s3  }
0xb2: {  	[dreg:$0x6] =	wrdreg s22  }
0xb3: {  	[dreg:$0x7] =	wrdreg $0x9  }
0xb4: {  	_ =	task.clear_ibuf [dreg:s8], $0x8FFFF;
	_ =	strace $0x90000046  }
0xb5: {  	s26 =	simm.s32 $0x9;
	_ =	strace $0x80000048  }
0xb6: {  	_ =	swait.ge [sflag:s26], $0x1  }
0xb7: {  	[sflag:s26] =	ssyncadd.s32 $0xFFFFFFFF  }
0xb8: {  	_ =	strace $0x90000048  }
0xb9: {  	_ =	sfence  }
0xba: {  	s28 =	sld [smem:$0x0];
	_ =	sdelay $0x1  }
0xbb: {  	s29 =	srdreg.scid  }
0xbc: {  	s30 =	sshll.u32 s29, $0xD;
	s31 =	sshrl.u32 s29, $0x2  }
0xbd: {  	s1 =	sand.u32 $0x1, s29;
	s2 =	sand.u32 $0x4000, s30;
	s0 =	sadd.s32 s31, s28  }
0xbe: {  	s1 =	sor.u32 s2, s1;
	s0 =	sshll.u32 s0, $0x11  }
0xbf: {  	s0 =	sor.u32 s0, s1  }
0xc0: {  	s0 =	sadd.s32 $0x8F2B, s0  }
0xc1: {  	[sflag:s0] =	ssyncadd.remote.s32 $0x1  }
0xc2: {  	_ =	sfence.sel $0xFFFF  }
0xc3: {  	[dreg:$0x0] =	wrdreg $0xFFFFFFFF;
	(pc) =	sbr.abs _section_cstart, $3  }
0xc4: {  	[dreg:$0x1] =	wrdreg $0xFFFFFFFF  }
0xc5: {  	_ =	task.clear_ibuf [dreg:s8], $0x2FFFF;
	_ =	strace $0x9FFFFFFF  }
0xc6: {  	(tm) =	ssettm $0x7FFFFFFF  }
0xc7: {  	_ =	shalt  }
tec
execute0_lowered:
.L_overlay_start_1:
0x0: {  	(tag) =	ssettag $0x1  }
0x1: {  	s1 =	rddreg [dreg:$0x0]  }
0x2: {  	s3 =	rddreg [dreg:$0x1]  }
0x3: {  	s8 =	rddreg [dreg:$0x2]  }
0x4: {  	s2 =	rddreg [dreg:$0x3]  }
0x5: {  	s4 =	rddreg [dreg:$0x4];
	s5 =	simm.s32 $0x0  }
0x6: {  	[smem:$0x7FF] =	sst s5  }
0x7: {  	s0 =	rddreg [dreg:$0x5];
	_ =	strace $0x80000047  }
0x8: {  	[tilespmem:s5], [sflag:$0x1] =	stream.linear.gather [hbm4b:s1+s5], $0xC8, $0x38;
	[tilespmem:$0x1580] =	vst v63  }
0x9: {  	s16 =	simm.s32 $0x100;
	s17 =	simm.s32 $0x2  }
0xa: {  	[tilespmem:s16], [sflag:$0x2] =	stream.linear.gather [hbm4b:s3+s5], $0x32, $0x38;
	[tilespmem:$0x1580] =	vst v63  }
0xb: {  	s1 =	stileid.u32;
	_ =	swait.ge [sflag:s17], $0x32  }
0xc: {  	s18 =	sshll.u32 s1, $0x2;
	[sflag:s17] =	ssyncset.done $0x0  }
0xd: {  	s3 =	smin.u32 s18, $0x2E;
	[sflag:s17] =	ssyncadd.s32 $0xFFFFFFCE  }
0xe: {  	v0 =	vld [tilespmem:s3+$0x100];
	_ =	sdelay $0x4  }
0xf: {  	(v2sf) =	vpush v0, $0x0;
	_ =	sdelay $0x1  }
0x10: {  	(v2sf) =	vpush v0, $0x1  }
0x11: {  	(v2sf) =	vpush v0, $0x2;
	_ =	sdelay $0xb  }
0x12: {  	s9 =	simm.s32 $0x80;
	s19 =	spop (v2sf);
	(v2sf) =	vpush v0, $0x3  }
0x13: {  	s10 =	simm.s32 $0x400;
	s6 =	sshll.u32 s19, $0xA;
	s5 =	sshll.u32 s19, $0x7  }
0x14: {  	s7 =	spop (v2sf);
	s6 =	sand.u32 $0xFFFFE000, s6;
	s5 =	sand.u32 $0x380, s5  }
0x15: {  	s21 =	sshll.u32 s7, $0xA;
	s7 =	sshll.u32 s7, $0x7;
	s22 =	spop (v2sf)  }
0x16: {  	s5 =	sor.u32 s5, s6;
	s6 =	sand.u32 $0xFFFFE000, s21;
	s7 =	sand.u32 $0x380, s7  }
0x17: {  	s23 =	sshll.u32 s22, $0xA;
	s5 =	sshrl.u32 s5, $0x3;
	s6 =	sor.u32 s7, s6  }
0x18: {  	s20 =	sadd.s32 s8, s5;
	s5 =	simm.s32 $0x180;
	s6 =	sshrl.u32 s6, $0x3  }
0x19: {  	[tilespmem:s5], [sflag:$0x3] =	stream.strided.gather [hbm4b:s20+s9], $0x400, s10, s9, $0x38;
	[tilespmem:$0x1580] =	vst v63  }
0x1a: {  	s7 =	sshll.u32 s22, $0x7;
	s11 =	sadd.s32 s8, s6;
	s6 =	simm.s32 $0x580  }
0x1b: {  	[tilespmem:s6], [sflag:$0x4] =	stream.strided.gather [hbm4b:s11+s9], $0x400, s10, s9, $0x38;
	[tilespmem:$0x1580] =	vst v63  }
0x1c: {  	s7 =	sand.u32 $0x380, s7;
	s11 =	sand.u32 $0xFFFFE000, s23  }
0x1d: {  	s7 =	sor.u32 s7, s11  }
0x1e: {  	s7 =	sshrl.u32 s7, $0x3  }
0x1f: {  	s24 =	sadd.s32 s8, s7;
	s7 =	simm.s32 $0x980  }
0x20: {  	[tilespmem:s7], [sflag:$0x5] =	stream.strided.gather [hbm4b:s24+s9], $0x400, s10, s9, $0x38;
	[tilespmem:$0x1580] =	vst v63  }
0x21: {  	s25 =	spop (v2sf)  }
0x22: {  	s12 =	sshll.u32 s25, $0xA;
	s11 =	sshll.u32 s25, $0x7  }
0x23: {  	s12 =	sand.u32 $0xFFFFE000, s12;
	s11 =	sand.u32 $0x380, s11  }
0x24: {  	s11 =	sor.u32 s11, s12  }
0x25: {  	s11 =	sshrl.u32 s11, $0x3  }
0x26: {  	s26 =	simm.s32 $0x1;
	s11 =	sadd.s32 s8, s11;
	s8 =	simm.s32 $0xD80  }
0x27: {  	[tilespmem:s8], [sflag:$0x6] =	stream.strided.gather [hbm4b:s11+s9], $0x400, s10, s9, $0x38;
	[tilespmem:$0x1580] =	vst v63  }
0x28: {  	_ =	swait.ge [sflag:s26], $0xC8  }
0x29: {  	[sflag:s26] =	ssyncset.done $0x0  }
0x2a: {  	s28 =	simm.s32 $0x3;
	[sflag:s26] =	ssyncadd.s32 $0xFFFFFF38  }
0x2b: {  	_ =	swait.ge [sflag:s28], $0x400  }
0x2c: {  	[sflag:s28] =	ssyncset.done $0x0  }
0x2d: {  	[sflag:s28] =	ssyncadd.s32 $0xFFFFFC00  }
0x2e: {  	v0 =	vld [tilespmem:$0xB8];
	_ =	sdelay $0x5  }
0x2f: {  	v1 =	vimm.f32 $-Inf  }
0x30: {  	[tilespmem:$0x1240] =	vst v1  }
0x31: {  	v0 =	vld.idx.msk [tilespmem:v0+s5+$0x0], $0xffff;
	_ =	sdelay $0x3  }
0x32: {  	vm0 =	vmmov $0xff  }
0x33: {  	v2 =	vsel vm0, $0xFF800000, v0  }
0x34: {  	s29 =	simm.s32 $0x4;
	[tilespmem:$0x1238] =	vst v2  }
0x35: {  	_ =	swait.ge [sflag:s29], $0x400  }
0x36: {  	[sflag:s29] =	ssyncset.done $0x0  }
0x37: {  	[sflag:s29] =	ssyncadd.s32 $0xFFFFFC00  }
0x38: {  	v0 =	vld [tilespmem:$0xB8];
	_ =	sdelay $0x6  }
0x39: {  	[tilespmem:$0x1340] =	vst v1  }
0x3a: {  	v0 =	vld.idx.msk [tilespmem:v0+s6+$0x0], $0xffff;
	_ =	sdelay $0x4  }
0x3b: {  	v3 =	vsel vm0, $0xFF800000, v0  }
0x3c: {  	s30 =	simm.s32 $0x5;
	[tilespmem:$0x1338] =	vst v3  }
0x3d: {  	_ =	swait.ge [sflag:s30], $0x400  }
0x3e: {  	[sflag:s30] =	ssyncset.done $0x0  }
0x3f: {  	[sflag:s30] =	ssyncadd.s32 $0xFFFFFC00  }
0x40: {  	v0 =	vld [tilespmem:$0xB8];
	_ =	sdelay $0x6  }
0x41: {  	[tilespmem:$0x1440] =	vst v1  }
0x42: {  	v0 =	vld.idx.msk [tilespmem:v0+s7+$0x0], $0xffff;
	_ =	sdelay $0x4  }
0x43: {  	v0 =	vsel vm0, $0xFF800000, v0  }
0x44: {  	s31 =	simm.s32 $0x6;
	[tilespmem:$0x1438] =	vst v0  }
0x45: {  	_ =	swait.ge [sflag:s31], $0x400  }
0x46: {  	[sflag:s31] =	ssyncset.done $0x0  }
0x47: {  	[sflag:s31] =	ssyncadd.s32 $0xFFFFFC00  }
0x48: {  	v4 =	vld [tilespmem:$0xB8];
	_ =	sdelay $0x6  }
0x49: {  	[tilespmem:$0x1540] =	vst v1  }
0x4a: {  	v1 =	vld.idx.msk [tilespmem:v4+s8+$0x0], $0xffff;
	_ =	sdelay $0x4  }
0x4b: {  	v1 =	vsel vm0, $0xFF800000, v1  }
0x4c: {  	s9 =	simm.s32 $0x0;
	[tilespmem:$0x1538] =	vst v1  }
0x4d: {  	v4 =	vld [tilespmem:s9+$0x0];
	_ =	sdelay $0x7  }
0x4e: {  	v5 =	vld.idx.msk [tilespmem:v4+s5+$0x0], $0xffff;
	_ =	sdelay $0x4  }
0x4f: {  	[tilespmem:s9+$0x1180] =	vst v5  }
0x50: {  	v6 =	vld.idx.msk [tilespmem:v4+s6+$0x0], $0xffff;
	_ =	sdelay $0x4  }
0x51: {  	[tilespmem:s9+$0x1280] =	vst v6  }
0x52: {  	v2 =	vmax.f32 v2, v5;
	v5 =	vld.idx.msk [tilespmem:v4+s7+$0x0], $0xffff;
	_ =	sdelay $0x3  }
0x53: {  	s4 =	sadd.s32 $0x800, s4;
	s11 =	simm.s32 $0x10;
	s10 =	simm.s32 $0x80;
	v3 =	vmax.f32 v3, v6  }
.LBB2_1:
0x54: {  	p0 =	sne.s32 s10, $0x2C0;
	v6 =	vld [tilespmem:s11+$0x0];
	[tilespmem:s9+$0x1380] =	vst v5;
	v0 =	vmax.f32 v0, v5  }
0x55: {  	v5 =	vld.idx.msk [tilespmem:v4+s8+$0x0], $0xffff;
	_ =	sdelay $0x3  }
0x56: {  	v4 =	vmov v6;
	_ =	sdelay $0x1  }
0x57: {  	v1 =	vmax.f32 v1, v5;
	[tilespmem:s9+$0x1480] =	vst v5;
	s9 =	smov.u32 s11  }
0x58: {  	v5 =	vld.idx.msk [tilespmem:v6+s5+$0x0], $0xffff;
	_ =	sdelay $0x5  }
0x59: {  	v2 =	vmax.f32 v2, v5;
	[tilespmem:s9+$0x1180] =	vst v5  }
0x5a: {  	v5 =	vld.idx.msk [tilespmem:v6+s6+$0x0], $0xffff;
	_ =	sdelay $0x5  }
0x5b: {  	v3 =	vmax.f32 v3, v5;
	[tilespmem:s9+$0x1280] =	vst v5  }
0x5c: {  	v5 =	vld.idx.msk [tilespmem:v6+s7+$0x0], $0xffff  }
.Ltmp0:
0x5d: {  	(pc) =	sbr.rel @p0 .LBB2_1-.Ltmp0, $2  }
0x5e: {  	_ =	sdelay $0x2  }
0x5f: {  	s11 =	sshra.s32 s10, $0x2;
	s10 =	sadd.s32 $0x40, s10  }
0x60: {  	_ =	sdelay $0x1  }
0x61: {  	v6 =	vld [tilespmem:s11+$0x0]  }
0x62: {  	[tilespmem:s9+$0x1380] =	vst v5  }
0x63: {  	v4 =	vld.idx.msk [tilespmem:v4+s8+$0x0], $0xffff;
	_ =	sdelay $0x4  }
0x64: {  	[tilespmem:s9+$0x1480] =	vst v4  }
0x65: {  	v7 =	vld.idx.msk [tilespmem:v6+s5+$0x0], $0xffff;
	_ =	sdelay $0x4  }
0x66: {  	[tilespmem:s11+$0x1180] =	vst v7  }
0x67: {  	v8 =	vld.idx.msk [tilespmem:v6+s6+$0x0], $0xffff;
	_ =	sdelay $0x4  }
0x68: {  	[tilespmem:s11+$0x1280] =	vst v8  }
0x69: {  	v9 =	vld.idx.msk [tilespmem:v6+s7+$0x0], $0xffff;
	_ =	sdelay $0x4  }
0x6a: {  	[tilespmem:s11+$0x1380] =	vst v9  }
0x6b: {  	v6 =	vld.idx.msk [tilespmem:v6+s8+$0x0], $0xffff;
	_ =	sdelay $0x1  }
0x6c: {  	v2 =	vmax.f32 v2, v7  }
0x6d: {  	v0 =	vmax.f32 v0, v5;
	(xrf0) =	vmax.scan.msk.f32 $0xffff, v2;
	v3 =	vmax.f32 v3, v8  }
0x6e: {  	v1 =	vmax.f32 v1, v4;
	(xrf0) =	vmax.scan.msk.f32 $0xffff, v3;
	v0 =	vmax.f32 v0, v9  }
0x6f: {  	(xrf0) =	vmax.scan.msk.f32 $0xffff, v0;
	v1 =	vmax.f32 v1, v6  }
0x70: {  	(xrf0) =	vmax.scan.msk.f32 $0xffff, v1;
	_ =	sdelay $0x2  }
0x71: {  	v0, _, _ =	vpop (xrf0)  }
0x72: {  	s5 =	simm.s32 $0x0;
	[tilespmem:s11+$0x1480] =	vst v6;
	v1, _, _ =	vpop (xrf0)  }
0x73: {  	v5 =	vbroadcast v0, $0xF;
	v0 =	vimm.f32 $0.0e+00;
	v8 =	vld [tilespmem:s5+$0x1180];
	v2, _, _ =	vpop (xrf0)  }
0x74: {  	v9 =	vld [tilespmem:s5+$0x1280];
	v6 =	vbroadcast v1, $0xF;
	v1 =	vimm.f32 $0.0e+00;
	v7 =	vbroadcast v2, $0xF;
	v3, _, _ =	vpop (xrf0)  }
0x75: {  	s6 =	simm.s32 $0x40;
	v10 =	vld [tilespmem:s5+$0x1380];
	v2 =	vimm.f32 $0.0e+00;
	v4 =	vbroadcast v3, $0xF;
	v3 =	vimm.f32 $0.0e+00  }
.LBB2_3:
0x76: {  	p0 =	sne.s32 s6, $0x300;
	v11 =	vld [tilespmem:s5+$0x1480];
	_ =	sdelay $0x1  }
0x77: {  	v8 =	vsub.f32 v8, v5  }
0x78: {  	v9 =	vsub.f32 v9, v6  }
0x79: {  	v8 =	vmul.f32 $1.442695020e+00, v8;
	v10 =	vsub.f32 v10, v7  }
0x7a: {  	v9 =	vmul.f32 $1.442695020e+00, v9;
	v11 =	vsub.f32 v11, v4  }
0x7b: {  	v10 =	vmul.f32 $1.442695020e+00, v10;
	(erf) = vpow2.f32 v8  }
0x7c: {  	v8 =	vmul.f32 $1.442695020e+00, v11;
	(erf) = vpow2.f32 v9  }
0x7d: {  	(erf) = vpow2.f32 v10  }
0x7e: {  	(erf) = vpow2.f32 v8;
	_ =	sdelay $0x5  }
.Ltmp1:
0x7f: {  	v8 =	vpop (erf);
	(pc) =	sbr.rel @p0 .LBB2_3-.Ltmp1, $4  }
0x80: {  	s7 =	sshra.s32 s6, $0x2;
	[tilespmem:s5+$0x1180] =	vst v8;
	v1 =	vadd.f32 v8, v1;
	v9 =	vpop (erf)  }
0x81: {  	v8 =	vld [tilespmem:s7+$0x1180];
	[tilespmem:s5+$0x1280] =	vst v9;
	v3 =	vadd.f32 v9, v3;
	v10 =	vpop (erf)  }
0x82: {  	v9 =	vld [tilespmem:s7+$0x1280];
	[tilespmem:s5+$0x1380] =	vst v10;
	v2 =	vadd.f32 v10, v2;
	v11 =	vpop (erf)  }
0x83: {  	s6 =	sadd.s32 $0x40, s6;
	v10 =	vld [tilespmem:s7+$0x1380];
	[tilespmem:s5+$0x1480] =	vst v11;
	v0 =	vadd.f32 v11, v0;
	s5 =	smov.u32 s7  }
0x84: {  	v11 =	vld [tilespmem:s5+$0x1480];
	_ =	sdelay $0x1  }
0x85: {  	v5 =	vsub.f32 v8, v5  }
0x86: {  	v6 =	vsub.f32 v9, v6  }
0x87: {  	v5 =	vmul.f32 $1.442695020e+00, v5;
	v7 =	vsub.f32 v10, v7  }
0x88: {  	v6 =	vmul.f32 $1.442695020e+00, v6;
	v4 =	vsub.f32 v11, v4  }
0x89: {  	v7 =	vmul.f32 $1.442695020e+00, v7;
	(erf) = vpow2.f32 v5  }
0x8a: {  	v4 =	vmul.f32 $1.442695020e+00, v4;
	(erf) = vpow2.f32 v6  }
0x8b: {  	(erf) = vpow2.f32 v7  }
0x8c: {  	(erf) = vpow2.f32 v4;
	_ =	sdelay $0x5  }
0x8d: {  	v4 =	vpop (erf)  }
0x8e: {  	v1 =	vadd.f32 v4, v1;
	v5 =	vpop (erf)  }
0x8f: {  	v3 =	vadd.f32 v5, v3;
	v6 =	vpop (erf)  }
0x90: {  	v2 =	vadd.f32 v6, v2;
	v7 =	vpop (erf);
	(xrf2) =	vadd.scan.msk.f32 $0xffff, v1  }
0x91: {  	v0 =	vadd.f32 v7, v0;
	(xrf2) =	vadd.scan.msk.f32 $0xffff, v3  }
0x92: {  	(xrf2) =	vadd.scan.msk.f32 $0xffff, v2  }
0x93: {  	(xrf2) =	vadd.scan.msk.f32 $0xffff, v0;
	_ =	sdelay $0x6  }
0x94: {  	v0, _, _ =	vpop (xrf2)  }
0x95: {  	v1, _, _ =	vpop (xrf2);
	v0 =	vbroadcast v0, $0xF  }
0x96: {  	v2, _, _ =	vpop (xrf2);
	v1 =	vbroadcast v1, $0xF  }
0x97: {  	(erf) = vrcp.f32 v0;
	v0 =	vbroadcast v2, $0xF;
	v2, _, _ =	vpop (xrf2)  }
0x98: {  	(erf) = vrcp.f32 v1;
	v1 =	vbroadcast v2, $0xF  }
0x99: {  	(erf) = vrcp.f32 v0  }
0x9a: {  	(erf) = vrcp.f32 v1;
	_ =	sdelay $0x2  }
0x9b: {  	[tilespmem:s5+$0x1180] =	vst v4  }
0x9c: {  	[tilespmem:s5+$0x1280] =	vst v5  }
0x9d: {  	[tilespmem:s5+$0x1380] =	vst v6  }
0x9e: {  	[tilespmem:s5+$0x1480] =	vst v7;
	s5 =	simm.s32 $0x0;
	v3 =	vpop (erf)  }
0x9f: {  	v5 =	vld [tilespmem:s5+$0x1180];
	v2 =	vpop (erf)  }
0xa0: {  	v6 =	vld [tilespmem:s5+$0x1280];
	v1 =	vpop (erf)  }
0xa1: {  	s6 =	simm.s32 $0x40;
	v4 =	vld [tilespmem:s5+$0x1380];
	v0 =	vpop (erf)  }
.LBB2_5:
0xa2: {  	p0 =	sne.s32 s6, $0x300;
	v7 =	vld [tilespmem:s5+$0x1480];
	_ =	sdelay $0x1  }
0xa3: {  	v5 =	vmul.f32 v5, v3  }
.Ltmp2:
0xa4: {  	v6 =	vmul.f32 v6, v2;
	(pc) =	sbr.rel @p0 .LBB2_5-.Ltmp2, $4  }
0xa5: {  	s7 =	sshra.s32 s6, $0x2;
	[tilespmem:s5+$0x1180] =	vst v5;
	v4 =	vmul.f32 v4, v1  }
0xa6: {  	v5 =	vld [tilespmem:s7+$0x1180];
	[tilespmem:s5+$0x1280] =	vst v6;
	v7 =	vmul.f32 v7, v0  }
0xa7: {  	v6 =	vld [tilespmem:s7+$0x1280];
	[tilespmem:s5+$0x1380] =	vst v4  }
0xa8: {  	s6 =	sadd.s32 $0x40, s6;
	v4 =	vld [tilespmem:s7+$0x1380];
	[tilespmem:s5+$0x1480] =	vst v7;
	s5 =	smov.u32 s7  }
0xa9: {  	s6 =	sshrl.u32 s3, $0x3  }
0xaa: {  	s7 =	sshll.u32 s3, $0x7;
	s11 =	sadd.s32 $0x2, s3;
	s14 =	simm.s32 $0x0  }
0xab: {  	s15 =	simm.s32 $0x1180;
	s16 =	sadd.s32 $0x3, s3;
	s17 =	simm.s32 $0x1200  }
0xac: {  	v7 =	vld [tilespmem:s5+$0x1480];
	s19 =	simm.s32 $0x1280;
	s21 =	simm.s32 $0x1300;
	s24 =	simm.s32 $0x1380  }
0xad: {  	s25 =	simm.s32 $0x1400;
	s8 =	sshll.u32 s6, $0xB;
	s7 =	sand.u32 $0x300, s7  }
0xae: {  	s6 =	sshll.u32 s6, $0xA;
	s12 =	sshrl.u32 s11, $0x3;
	s11 =	sshll.u32 s11, $0x7;
	v3 =	vmul.f32 v5, v3  }
0xaf: {  	s18 =	sshrl.u32 s16, $0x3;
	s3 =	sshll.u32 s16, $0x7;
	s9 =	sor.u32 s7, s8;
	v2 =	vmul.f32 v6, v2  }
0xb0: {  	s10 =	sor.u32 s7, s6;
	s7 =	sor.u32 $0x80, s7;
	s31 =	sshll.u32 s12, $0xB;
	[tilespmem:s5+$0x1180] =	vst v3;
	v1 =	vmul.f32 v4, v1  }
0xb1: {  	s11 =	sand.u32 $0x300, s11;
	s12 =	sshll.u32 s12, $0xA;
	s20 =	sshll.u32 s18, $0xB;
	[tilespmem:s5+$0x1280] =	vst v2;
	v0 =	vmul.f32 v7, v0  }
0xb2: {  	s3 =	sand.u32 $0x380, s3;
	s23 =	sshll.u32 s18, $0xA;
	s9 =	sshrl.u32 s9, $0x3;
	[tilespmem:s5+$0x1380] =	vst v1  }
0xb3: {  	s10 =	sshrl.u32 s10, $0x3;
	s8 =	sor.u32 s8, s7;
	s9 =	sadd.s32 s2, s9;
	[tilespmem:s5+$0x1480] =	vst v0  }
0xb4: {  	[hbm4b:s9+s14] =	stream.linear.scatter [tilespmem:s15], [sflag:$0x7], $0x80, $0x38;
	[tilespmem:$0x1580] =	vst v63  }
0xb5: {  	s6 =	sor.u32 s6, s7;
	s8 =	sshrl.u32 s8, $0x3;
	s10 =	sadd.s32 s4, s10  }
0xb6: {  	[hbm4b:s10+s14] =	stream.linear.scatter [tilespmem:s17], [sflag:$0x7], $0x80, $0x38;
	[tilespmem:$0x1580] =	vst v63  }
0xb7: {  	s7 =	sor.u32 s11, s31;
	s6 =	sshrl.u32 s6, $0x3;
	s8 =	sadd.s32 s2, s8  }
0xb8: {  	[hbm4b:s8+s14] =	stream.linear.scatter [tilespmem:s19], [sflag:$0x7], $0x80, $0x38;
	[tilespmem:$0x1580] =	vst v63  }
0xb9: {  	s11 =	sor.u32 s11, s12;
	s7 =	sshrl.u32 s7, $0x3;
	s6 =	sadd.s32 s4, s6  }
0xba: {  	[hbm4b:s6+s14] =	stream.linear.scatter [tilespmem:s21], [sflag:$0x7], $0x80, $0x38;
	[tilespmem:$0x1580] =	vst v63  }
0xbb: {  	s22 =	sor.u32 s3, s20;
	s13 =	sshrl.u32 s11, $0x3;
	s7 =	sadd.s32 s2, s7  }
0xbc: {  	[hbm4b:s7+s14] =	stream.linear.scatter [tilespmem:s24], [sflag:$0x7], $0x80, $0x38;
	[tilespmem:$0x1580] =	vst v63  }
0xbd: {  	s3 =	sor.u32 s3, s23;
	s5 =	sadd.s32 s4, s13;
	s6 =	sshrl.u32 s22, $0x3  }
0xbe: {  	[hbm4b:s5+s14] =	stream.linear.scatter [tilespmem:s25], [sflag:$0x7], $0x80, $0x38;
	[tilespmem:$0x1580] =	vst v63  }
0xbf: {  	s28 =	simm.s32 $0x1480;
	s3 =	sshrl.u32 s3, $0x3;
	s26 =	sadd.s32 s2, s6  }
0xc0: {  	[hbm4b:s26+s14] =	stream.linear.scatter [tilespmem:s28], [sflag:$0x7], $0x80, $0x38;
	[tilespmem:$0x1580] =	vst v63  }
0xc1: {  	s30 =	simm.s32 $0x1500;
	s31 =	simm.s32 $0x7;
	s29 =	sadd.s32 s4, s3  }
0xc2: {  	[hbm4b:s29+s14] =	stream.linear.scatter [tilespmem:s30], [sflag:$0x7], $0x80, $0x38;
	[tilespmem:$0x1580] =	vst v63  }
0xc3: {  	_ =	swait.ge [sflag:s31], $0x80  }
0xc4: {  	[sflag:s31] =	ssyncset.done $0x0  }
0xc5: {  	[sflag:s31] =	ssyncadd.s32 $0xFFFFFF80  }
0xc6: {  	_ =	swait.ge [sflag:s31], $0x80  }
0xc7: {  	[sflag:s31] =	ssyncset.done $0x0  }
0xc8: {  	[sflag:s31] =	ssyncadd.s32 $0xFFFFFF80  }
0xc9: {  	_ =	swait.ge [sflag:s31], $0x80  }
0xca: {  	[sflag:s31] =	ssyncset.done $0x0  }
0xcb: {  	[sflag:s31] =	ssyncadd.s32 $0xFFFFFF80  }
0xcc: {  	_ =	swait.ge [sflag:s31], $0x80  }
0xcd: {  	[sflag:s31] =	ssyncset.done $0x0  }
0xce: {  	[sflag:s31] =	ssyncadd.s32 $0xFFFFFF80  }
0xcf: {  	_ =	swait.ge [sflag:s31], $0x80  }
0xd0: {  	[sflag:s31] =	ssyncset.done $0x0  }
0xd1: {  	[sflag:s31] =	ssyncadd.s32 $0xFFFFFF80  }
0xd2: {  	_ =	swait.ge [sflag:s31], $0x80  }
0xd3: {  	[sflag:s31] =	ssyncset.done $0x0  }
0xd4: {  	[sflag:s31] =	ssyncadd.s32 $0xFFFFFF80  }
0xd5: {  	_ =	swait.ge [sflag:s31], $0x80  }
0xd6: {  	[sflag:s31] =	ssyncset.done $0x0  }
0xd7: {  	[sflag:s31] =	ssyncadd.s32 $0xFFFFFF80  }
0xd8: {  	_ =	swait.ge [sflag:s31], $0x80  }
0xd9: {  	[sflag:s31] =	ssyncset.done $0x0  }
0xda: {  	[sflag:s31] =	ssyncadd.s32 $0xFFFFFF80  }
0xdb: {  	_ =	sfence.sel $0x180000  }
0xdc: {  	[bflag:$0x0] =	sbarrier.arrive $0xFFFF  }
0xdd: {  	p0 =	sne.s32 s1, $0x0;
	_ =	strace $0x90000047  }
0xde: {  	s0 =	sadd.s32 @!p0 $0x100000, s0;
	[bflag:$0x2] =	sbarrier.arrive $0xFFFF  }
0xdf: {  	[sflag:s0] =	ssyncadd.tile.s32 @!p0 $0x1;
	_ =	shalt  }
.Lfunc_end2:
_tile_overlayer_lowered:
.L_overlay_start_2:
0xe0: {  	(tag) =	ssettag $0x2  }
0xe1: {  	s0 =	rddreg [dreg:$0x0];
	s2 =	stileid.u32  }
0xe2: {  	s1 =	rddreg [dreg:$0x1];
	p0 =	sne.s32 s2, $0x0  }
0xe3: {  	s3 =	rddreg [dreg:$0x2];
	[bflag:$0x3] =	sbarrier.arrive $0xFFFF;
	s2 =	simm.s32 @!p0 $0x1C08  }
0xe4: {  	[timem:s3], [sflag:s2] =	dma.local @!p0 [hbm:s0], s1  }
0xe5: {  	s0 =	simm.s32 @!p0 $0x8  }
0xe6: {  	_ =	swait.ge @!p0 [sflag:s0], s1  }
0xe7: {  	s1 =	ssub.s32 @!p0 $0x0, s1;
	[sflag:s0] =	ssyncset.done @!p0 $0x0  }
0xe8: {  	[sflag:s0] =	ssyncadd.s32 @!p0 s1  }
0xe9: {  	[bflag:$0x3] =	sbarrier.arrive $0xFFFF  }
0xea: {  	_ =	shalt  }

</sc_bundles>
